<compile_context>
chip_gen: v7x
topology: tpu7x:2x2x1
jax: 0.10.2.dev20260603
libtpu: 0.0.44.dev20260713+nightly
codegen_flags: <defaults>
</compile_context>

<pallas_src>
import functools

import jax
import jax.numpy as jnp
from jax import lax
from jax.experimental import pallas as pl
from jax.experimental.pallas import tpu as pltpu, tpu_sc as plsc

T, D, H, DH, F, E, K = 2048, 1024, 16, 64, 4096, 8, 2
KD = 3
DELTA = 5e-4
BLK = 256
NB = (T * KD) // BLK + E
P = NB * BLK
EPAD = 128
FT = 1024
NF = F // FT
GC = 256
NWORK = 32


def _sc_row_gather(B, nchunks):
    b_per_w = B // NWORK
    cb = b_per_w // nchunks
    mesh = plsc.VectorSubcoreMesh(core_axis_name="c", subcore_axis_name="s",
                                  num_cores=2, num_subcores=16)

    @functools.partial(
        pl.kernel, mesh=mesh,
        out_type=jax.ShapeDtypeStruct((B, D), jnp.float32),
        scratch_types=[
            pltpu.VMEM((cb,), jnp.int32),
            pltpu.VMEM((cb, D), jnp.float32),
            pltpu.SemaphoreType.DMA,
        ],
    )
    def k(table_hbm, idx_hbm, out_hbm, idx_v, rows_v, sem):
        wid = lax.axis_index("s") * 2 + lax.axis_index("c")
        for chunk in range(nchunks):
            base = wid * b_per_w + chunk * cb
            pltpu.sync_copy(idx_hbm.at[pl.ds(base, cb)], idx_v)
            pltpu.async_copy(table_hbm.at[idx_v], rows_v, sem).wait()
            pltpu.sync_copy(rows_v, out_hbm.at[pl.ds(base, cb)])

    return k


def _qkv_body(x_ref, w_ref, b_ref, o_ref):
    o_ref[...] = jax.lax.dot_general(
        x_ref[...], w_ref[...], (((1,), (1,)), ((), ())),
        preferred_element_type=jnp.float32) + b_ref[0, :][None, :]


def _attn_body(q_ref, k_ref, v_ref, o_ref):
    scale = DH ** -0.5
    for half in range(2):
        sl = slice(half * DH, (half + 1) * DH)
        q = q_ref[:, sl]
        k = k_ref[:, sl]
        v = v_ref[:, sl]
        s = jax.lax.dot_general(q, k, (((1,), (1,)), ((), ())),
                                preferred_element_type=jnp.float32) * scale
        m = jnp.max(s, axis=1, keepdims=True)
        e = jnp.exp(s - m)
        oe = jax.lax.dot_general(
            e, v, (((1,), (0,)), ((), ())),
            preferred_element_type=jnp.float32)
        o_ref[:, sl] = oe / jnp.sum(e, axis=1, keepdims=True)


def _ln1_router_body(a_ref, wo_ref, bo_ref, x_ref, g_ref, b_ref, wg_ref,
                     x1_ref, ti_ref, gt_ref, st_ref):
    y = jax.lax.dot_general(a_ref[...], wo_ref[...], (((1,), (1,)), ((), ())),
                            preferred_element_type=jnp.float32)
    y = y + bo_ref[0, :][None, :] + x_ref[...]
    mu = jnp.mean(y, axis=1, keepdims=True)
    yc = y - mu
    var = jnp.mean(yc * yc, axis=1, keepdims=True)
    x1 = yc / jnp.sqrt(var + 1e-5) * g_ref[0, :][None, :] + b_ref[0, :][None, :]
    x1_ref[...] = x1

    logits = jax.lax.dot_general(x1, wg_ref[...], (((1,), (1,)), ((), ())),
                                 preferred_element_type=jnp.float32)
    col = jax.lax.broadcasted_iota(jnp.int32, logits.shape, 1)
    valid = col < E
    logits = jnp.where(valid, logits, jnp.float32(-1e30))
    l1 = jnp.max(logits, axis=1, keepdims=True)
    i1 = jnp.min(jnp.where(logits == l1, col, EPAD), axis=1, keepdims=True)
    lm = jnp.where(col == i1, jnp.float32(-1e30), logits)
    l2 = jnp.max(lm, axis=1, keepdims=True)
    i2 = jnp.min(jnp.where(lm == l2, col, EPAD), axis=1, keepdims=True)
    lm2 = jnp.where(col == i2, jnp.float32(-1e30), lm)
    l3 = jnp.max(lm2, axis=1, keepdims=True)
    i3 = jnp.min(jnp.where(lm2 == l3, col, EPAD), axis=1, keepdims=True)
    t2 = jnp.exp(l2 - l1)
    t3 = jnp.exp(l3 - l1)
    w = jnp.minimum(0.5 + (l2 - l3) * jnp.float32(0.5 / DELTA), 1.0)
    g1 = w / (1.0 + t2) + (1.0 - w) / (1.0 + t3)
    gA = w * t2 / (1.0 + t2)
    gB = (1.0 - w) * t3 / (1.0 + t3)
    ex = jnp.where(valid, jnp.exp(logits - l1), 0.0)
    probs = ex / jnp.sum(ex, axis=1, keepdims=True)
    ti_ref[...] = jnp.where(col == 0, i1, jnp.where(col == 1, i2,
                            jnp.where(col == 2, i3, 0)))
    gt_ref[...] = jnp.where(col == 0, g1, jnp.where(col == 1, gA,
                            jnp.where(col == 2, gB, 0.0)))

    m1f = jnp.where(col == i1, 1.0, 0.0)
    m2f = jnp.where(col == i2, w, 0.0)
    m3f = jnp.where(col == i3, 1.0 - w, 0.0)
    psum = jnp.sum(probs, axis=0, keepdims=True)
    fsum = jnp.sum(m1f + m2f + m3f, axis=0, keepdims=True)

    @pl.when(pl.program_id(0) == 0)
    def _():
        st_ref[...] = jnp.zeros_like(st_ref)

    st_ref[0:1, :] += psum
    st_ref[1:2, :] += fsum


def _ffn_body(be_ref, xg_ref, w1_ref, b1_ref, w2_ref, b2_ref, g_ref, o_ref):
    f = pl.program_id(1)
    h = jax.lax.dot_general(xg_ref[...], w1_ref[0], (((1,), (1,)), ((), ())),
                            preferred_element_type=jnp.float32)
    h = jnp.maximum(h + b1_ref[0, 0, :][None, :], 0.0)
    c = jax.lax.dot_general(h, w2_ref[0], (((1,), (1,)), ((), ())),
                            preferred_element_type=jnp.float32)

    @pl.when(f == 0)
    def _():
        o_ref[...] = jnp.zeros_like(o_ref)

    o_ref[...] += c

    @pl.when(f == NF - 1)
    def _():
        o_ref[...] = (o_ref[...] + b2_ref[0, 0, :][None, :]) * g_ref[0, 0, :][:, None]


def _combine_body(x1_ref, pr_ref, g_ref, b_ref, o_ref):
    y = x1_ref[...] + (pr_ref[:, 0, :] + pr_ref[:, 1, :] + pr_ref[:, 2, :])
    mu = jnp.mean(y, axis=1, keepdims=True)
    yc = y - mu
    var = jnp.mean(yc * yc, axis=1, keepdims=True)
    o_ref[...] = yc / jnp.sqrt(var + 1e-5) * g_ref[0, :][None, :] + b_ref[0, :][None, :]


def kernel(x, Wqkv, bqkv, Wo, bo, ln1_g, ln1_b, ln2_g, ln2_b, wg, We1, be1, We2, be2):
    f32 = jnp.float32
    xf = x.reshape(T, D)

    qkv = pl.pallas_call(
        _qkv_body,
        grid=(6, 8),
        in_specs=[
            pl.BlockSpec((T // 8, D), lambda n, m: (m, 0)),
            pl.BlockSpec((3 * D // 6, D), lambda n, m: (n, 0)),
            pl.BlockSpec((1, 3 * D // 6), lambda n, m: (0, n)),
        ],
        out_specs=pl.BlockSpec((T // 8, 3 * D // 6), lambda n, m: (m, n)),
        out_shape=jax.ShapeDtypeStruct((T, 3 * D), f32),
    )(xf, Wqkv, bqkv.reshape(1, 3 * D))

    attn = pl.pallas_call(
        _attn_body,
        grid=(H // 2, 4),
        in_specs=[
            pl.BlockSpec((T // 4, 2 * DH), lambda h, m: (m, h)),
            pl.BlockSpec((T, 2 * DH), lambda h, m: (0, H // 2 + h)),
            pl.BlockSpec((T, 2 * DH), lambda h, m: (0, H + h)),
        ],
        out_specs=pl.BlockSpec((T // 4, 2 * DH), lambda h, m: (m, h)),
        out_shape=jax.ShapeDtypeStruct((T, D), f32),
    )(qkv, qkv, qkv)

    wg_pad = jnp.zeros((EPAD, D), f32).at[:E].set(wg)
    x1, ti, gt, st = pl.pallas_call(
        _ln1_router_body,
        grid=(8,),
        in_specs=[
            pl.BlockSpec((T // 8, D), lambda m: (m, 0)),
            pl.BlockSpec((D, D), lambda m: (0, 0)),
            pl.BlockSpec((1, D), lambda m: (0, 0)),
            pl.BlockSpec((T // 8, D), lambda m: (m, 0)),
            pl.BlockSpec((1, D), lambda m: (0, 0)),
            pl.BlockSpec((1, D), lambda m: (0, 0)),
            pl.BlockSpec((EPAD, D), lambda m: (0, 0)),
        ],
        out_specs=[
            pl.BlockSpec((T // 8, D), lambda m: (m, 0)),
            pl.BlockSpec((T // 8, EPAD), lambda m: (m, 0)),
            pl.BlockSpec((T // 8, EPAD), lambda m: (m, 0)),
            pl.BlockSpec((8, EPAD), lambda m: (0, 0)),
        ],
        out_shape=[
            jax.ShapeDtypeStruct((T, D), f32),
            jax.ShapeDtypeStruct((T, EPAD), jnp.int32),
            jax.ShapeDtypeStruct((T, EPAD), f32),
            jax.ShapeDtypeStruct((8, EPAD), f32),
        ],
    )(attn, Wo, bo.reshape(1, D), xf, ln1_g.reshape(1, D), ln1_b.reshape(1, D),
      wg_pad)

    topi = ti[:, :KD]
    gates = gt[:, :KD]
    aux = f32(E) * jnp.sum((st[1, :E] / T) * (st[0, :E] / T))

    e_flat = topi.reshape(-1)
    onehot = (e_flat[:, None] == jnp.arange(E, dtype=jnp.int32)[None, :]).astype(jnp.int32)
    rank = jnp.sum((jnp.cumsum(onehot, axis=0) - onehot) * onehot, axis=1)
    counts = jnp.sum(onehot, axis=0)
    nblk = (counts + BLK - 1) // BLK
    bstart = jnp.concatenate([jnp.zeros(1, jnp.int32), jnp.cumsum(nblk)])[:E]
    pos = (bstart * BLK)[e_flat] + rank
    tok_of_pair = jnp.arange(T * KD, dtype=jnp.int32) // KD
    row_token = (jnp.arange(P, dtype=jnp.int32) % T).at[pos].set(tok_of_pair)
    row_gate = jnp.zeros(P, f32).at[pos].set(gates.reshape(-1))
    block_expert = (jnp.sum(jnp.arange(NB, dtype=jnp.int32)[:, None] >= bstart[None, :],
                            axis=1) - 1).astype(jnp.int32)

    xg = _sc_row_gather(P, 4)(x1, row_token)

    moe = pl.pallas_call(
        _ffn_body,
        grid_spec=pltpu.PrefetchScalarGridSpec(
            num_scalar_prefetch=1,
            grid=(NB, NF),
            in_specs=[
                pl.BlockSpec((BLK, D), lambda b, f, be: (b, 0)),
                pl.BlockSpec((1, FT, D), lambda b, f, be: (be[b], f, 0)),
                pl.BlockSpec((1, 1, FT), lambda b, f, be: (be[b], 0, f)),
                pl.BlockSpec((1, D, FT), lambda b, f, be: (be[b], 0, f)),
                pl.BlockSpec((1, 1, D), lambda b, f, be: (be[b], 0, 0)),
                pl.BlockSpec((1, 1, BLK), lambda b, f, be: (b, 0, 0)),
            ],
            out_specs=pl.BlockSpec((BLK, D), lambda b, f, be: (b, 0)),
        ),
        out_shape=jax.ShapeDtypeStruct((P, D), f32),
    )(block_expert, xg, We1, be1.reshape(E, 1, F), We2, be2.reshape(E, 1, D),
      row_gate.reshape(NB, 1, BLK))

    pairs = _sc_row_gather(T * KD, 4)(moe, pos.astype(jnp.int32))
    out = pl.pallas_call(
        _combine_body,
        grid=(T // GC,),
        in_specs=[
            pl.BlockSpec((GC, D), lambda j: (j, 0)),
            pl.BlockSpec((GC, KD, D), lambda j: (j, 0, 0)),
            pl.BlockSpec((1, D), lambda j: (0, 0)),
            pl.BlockSpec((1, D), lambda j: (0, 0)),
        ],
        out_specs=pl.BlockSpec((GC, D), lambda j: (j, 0)),
        out_shape=jax.ShapeDtypeStruct((T, D), f32),
    )(x1, pairs.reshape(T, KD, D), ln2_g.reshape(1, D), ln2_b.reshape(1, D))

    return (out.reshape(1, T, D), aux)

# --- scband reference (transcript-rebuilt; emitter-appended) ---
"""Pipeline reference for scband-transformer-block-6863357739241 (READ-ONLY COPY).

The authoritative reference and input builder live on the scoring server;
editing this copy changes nothing except your own understanding.
"""

import jax, jax.numpy as jnp
import numpy as np

B, S, D, H, F, E, K = 1, 2048, 1024, 16, 4096, 8, 2

def setup_inputs(seed: int = 0) -> dict:
    key = jax.random.key(seed)
    ks = jax.random.split(key, 12)
    s = 0.02
    return {
        "x": jax.random.normal(ks[0], (B, S, D), dtype=jnp.float32),
        "Wqkv": jax.random.normal(ks[1], (3 * D, D), dtype=jnp.float32) * s,
        "bqkv": jnp.zeros((3 * D,), dtype=jnp.float32),
        "Wo": jax.random.normal(ks[2], (D, D), dtype=jnp.float32) * s,
        "bo": jnp.zeros((D,), dtype=jnp.float32),
        "ln1_g": jnp.ones((D,), dtype=jnp.float32),
        "ln1_b": jnp.zeros((D,), dtype=jnp.float32),
        "ln2_g": jnp.ones((D,), dtype=jnp.float32),
        "ln2_b": jnp.zeros((D,), dtype=jnp.float32),
        "wg": jax.random.normal(ks[3], (E, D), dtype=jnp.float32) * s,
        "We1": jax.random.normal(ks[4], (E, F, D), dtype=jnp.float32) * s,
        "be1": jnp.zeros((E, F), dtype=jnp.float32),
        "We2": jax.random.normal(ks[5], (E, D, F), dtype=jnp.float32) * s,
        "be2": jnp.zeros((E, D), dtype=jnp.float32),
    }

def _layernorm(x, g, b, eps=1e-5):
    mu = jnp.mean(x, axis=-1, keepdims=True)
    var = jnp.var(x, axis=-1, keepdims=True)
    return (x - mu) / jnp.sqrt(var + eps) * g + b

def _mha(x, Wqkv, bqkv, Wo, bo):
    b, s, d = x.shape
    dh = d // H
    qkv = x @ Wqkv.T + bqkv
    q, k, v = jnp.split(qkv, 3, axis=-1)
    q = q.reshape(b, s, H, dh).transpose(0, 2, 1, 3)
    k = k.reshape(b, s, H, dh).transpose(0, 2, 1, 3)
    v = v.reshape(b, s, H, dh).transpose(0, 2, 1, 3)
    scores = jnp.einsum("bhqd,bhkd->bhqk", q, k) / jnp.sqrt(jnp.float32(dh))
    attn = jax.nn.softmax(scores, axis=-1)
    out = jnp.einsum("bhqk,bhkd->bhqd", attn, v)
    out = out.transpose(0, 2, 1, 3).reshape(b, s, d)
    return out @ Wo.T + bo

def _moe(xf, wg, We1, be1, We2, be2):
    T = xf.shape[0]
    logits = xf @ wg.T                      # [T, E]
    probs = jax.nn.softmax(logits, axis=-1)
    topv, topi = jax.lax.top_k(probs, K)    # [T, K]
    gates = topv / jnp.sum(topv, axis=-1, keepdims=True)
    dense_gates = jnp.zeros((T, E), dtype=xf.dtype).at[jnp.arange(T)[:, None], topi].set(gates)
    out = jnp.zeros_like(xf)
    for e in range(E):
        h = jax.nn.relu(xf @ We1[e].T + be1[e])
        oe = h @ We2[e].T + be2[e]
        out = out + dense_gates[:, e:e + 1] * oe
    # load-balancing aux loss (switch-style)
    mask = (dense_gates > 0).astype(jnp.float32)
    f = jnp.mean(mask, axis=0)
    P = jnp.mean(probs, axis=0)
    aux = jnp.float32(E) * jnp.sum(f * P)
    return out, aux

def reference(x, Wqkv, bqkv, Wo, bo, ln1_g, ln1_b, ln2_g, ln2_b, wg, We1, be1, We2, be2):
    residual = x
    attn_out = _mha(x, Wqkv, bqkv, Wo, bo)
    x1 = _layernorm(residual + attn_out, ln1_g, ln1_b)
    b, s, d = x1.shape
    moe_out, aux = _moe(x1.reshape(-1, d), wg, We1, be1, We2, be2)
    x2 = x1 + moe_out.reshape(b, s, d)
    x2 = _layernorm(x2, ln2_g, ln2_b)
    return (x2, aux)

if __name__ == "__main__":
    import jax
    _d = setup_inputs()
    print(jax.jit(kernel)(*tuple(_d.values())))

</pallas_src>

<mosaic_0001>
#map = affine_map<(d0, d1) -> (0, 0)>
#map1 = affine_map<(d0, d1) -> (0)>
module attributes {stable_mosaic.version = 14 : i64} {
  func.func @k(%arg0: i32, %arg1: i32, %arg2: memref<2048x1024xf32, #tpu.memory_space<hbm>>, %arg3: memref<8192xi32, #tpu.memory_space<hbm>>, %arg4: memref<8192x1024xf32, #tpu.memory_space<hbm>>, %arg5: memref<64xi32, #tpu.memory_space<vmem>>, %arg6: memref<64x1024xf32, #tpu.memory_space<vmem>>, %arg7: memref<!tpu.dma_semaphore, #tpu.memory_space<semaphore_mem>>) attributes {dimension_semantics = [#tpu.dimension_semantics<core_parallel>, #tpu.dimension_semantics<subcore_parallel>], iteration_bounds = array<i64: 2, 16>, scalar_prefetch = 0 : i64, scratch_operands = 3 : i64, tpu.core_type = #tpu.core_type<sc_vector_subcore>, window_params = [{transform_indices = #map}, {transform_indices = #map1}, {transform_indices = #map}]} {
    %mul3A = arith.constant 2 : i32
    %mul3A_0 = arith.muli %arg1, %mul3A : i32
    %add3A = arith.addi %mul3A_0, %arg0 : i32
    %mul3A_1 = arith.constant 256 : i32
    %mul3A_2 = arith.muli %add3A, %mul3A_1 : i32
    %add3A_3 = arith.constant 0 : i32
    %add3A_4 = arith.addi %mul3A_2, %add3A_3 : i32
    "tpu.region"() ({
      %run_scoped3A = tpu.sem_alloc : memref<!tpu.dma_semaphore, #tpu.memory_space<semaphore_mem>>
      %dma_start3A_39 = tpu.memref_slice %arg3[%add3A_4] : memref<8192xi32, #tpu.memory_space<hbm>> -> memref<64xi32, #tpu.memory_space<hbm>>
      %dma_start3A_40 = tpu.memref_slice %arg3[%add3A_4] : memref<8192xi32, #tpu.memory_space<hbm>> -> memref<64xi32, #tpu.memory_space<hbm>>
      tpu.enqueue_dma source(%dma_start3A_40 : memref<64xi32, #tpu.memory_space<hbm>>) target(%arg5 : memref<64xi32, #tpu.memory_space<vmem>>) target_semaphore(%run_scoped3A : memref<!tpu.dma_semaphore, #tpu.memory_space<semaphore_mem>>)
      %dma_wait3A_41 = tpu.memref_slice %arg3[%add3A_4] : memref<8192xi32, #tpu.memory_space<hbm>> -> memref<64xi32, #tpu.memory_space<hbm>>
      %dma_wait3A_42 = tpu.memref_slice %arg3[%add3A_4] : memref<8192xi32, #tpu.memory_space<hbm>> -> memref<64xi32, #tpu.memory_space<hbm>>
      tpu.wait_dma2 semaphore(%run_scoped3A : memref<!tpu.dma_semaphore, #tpu.memory_space<semaphore_mem>>) src(%dma_wait3A_42 : memref<64xi32, #tpu.memory_space<hbm>>) dst(%arg5 : memref<64xi32, #tpu.memory_space<vmem>>)
      tpu.yield
    }) : () -> ()
    %dma_start3A = arith.constant 0 : i32
    %dma_start3A_5 = arith.constant 0 : i32
    %dma_start3A_6 = tpu.memref_slice %arg2[%dma_start3A, %dma_start3A_5] : memref<2048x1024xf32, #tpu.memory_space<hbm>> -> memref<2048x1024xf32, #tpu.memory_space<hbm>>
    tpu.enqueue_indirect_dma source(%dma_start3A_6 : memref<2048x1024xf32, #tpu.memory_space<hbm>>) target(%arg6 : memref<64x1024xf32, #tpu.memory_space<vmem>>) offsets(%arg5 : memref<64xi32, #tpu.memory_space<vmem>>) semaphore(%arg7 : memref<!tpu.dma_semaphore, #tpu.memory_space<semaphore_mem>>)
    %dma_wait3A = arith.constant 0 : i32
    %dma_wait3A_7 = arith.constant 0 : i32
    %dma_wait3A_8 = tpu.memref_slice %arg2[%dma_wait3A, %dma_wait3A_7] : memref<2048x1024xf32, #tpu.memory_space<hbm>> -> memref<2048x1024xf32, #tpu.memory_space<hbm>>
    tpu.wait_indirect_dma semaphore(%arg7 : memref<!tpu.dma_semaphore, #tpu.memory_space<semaphore_mem>>) src(%dma_wait3A_8 : memref<2048x1024xf32, #tpu.memory_space<hbm>>) dst(%arg6 : memref<64x1024xf32, #tpu.memory_space<vmem>>)
    "tpu.region"() ({
      %run_scoped3A = tpu.sem_alloc : memref<!tpu.dma_semaphore, #tpu.memory_space<semaphore_mem>>
      %dma_start3A_39 = arith.constant 0 : i32
      %dma_start3A_40 = tpu.memref_slice %arg4[%add3A_4, %dma_start3A_39] : memref<8192x1024xf32, #tpu.memory_space<hbm>> -> memref<64x1024xf32, #tpu.memory_space<hbm>>
      %dma_start3A_41 = arith.constant 0 : i32
      %dma_start3A_42 = tpu.memref_slice %arg4[%add3A_4, %dma_start3A_41] : memref<8192x1024xf32, #tpu.memory_space<hbm>> -> memref<64x1024xf32, #tpu.memory_space<hbm>>
      tpu.enqueue_dma source(%arg6 : memref<64x1024xf32, #tpu.memory_space<vmem>>) target(%dma_start3A_42 : memref<64x1024xf32, #tpu.memory_space<hbm>>) target_semaphore(%run_scoped3A : memref<!tpu.dma_semaphore, #tpu.memory_space<semaphore_mem>>)
      %dma_wait3A_43 = arith.constant 0 : i32
      %dma_wait3A_44 = tpu.memref_slice %arg4[%add3A_4, %dma_wait3A_43] : memref<8192x1024xf32, #tpu.memory_space<hbm>> -> memref<64x1024xf32, #tpu.memory_space<hbm>>
      %dma_wait3A_45 = arith.constant 0 : i32
      %dma_wait3A_46 = tpu.memref_slice %arg4[%add3A_4, %dma_wait3A_45] : memref<8192x1024xf32, #tpu.memory_space<hbm>> -> memref<64x1024xf32, #tpu.memory_space<hbm>>
      tpu.wait_dma2 semaphore(%run_scoped3A : memref<!tpu.dma_semaphore, #tpu.memory_space<semaphore_mem>>) src(%arg6 : memref<64x1024xf32, #tpu.memory_space<vmem>>) dst(%dma_wait3A_46 : memref<64x1024xf32, #tpu.memory_space<hbm>>)
      tpu.yield
    }) : () -> ()
    %mul3A_9 = arith.constant 256 : i32
    %mul3A_10 = arith.muli %add3A, %mul3A_9 : i32
    %add3A_11 = arith.constant 64 : i32
    %add3A_12 = arith.addi %mul3A_10, %add3A_11 : i32
    "tpu.region"() ({
      %run_scoped3A = tpu.sem_alloc : memref<!tpu.dma_semaphore, #tpu.memory_space<semaphore_mem>>
      %dma_start3A_39 = tpu.memref_slice %arg3[%add3A_12] : memref<8192xi32, #tpu.memory_space<hbm>> -> memref<64xi32, #tpu.memory_space<hbm>>
      %dma_start3A_40 = tpu.memref_slice %arg3[%add3A_12] : memref<8192xi32, #tpu.memory_space<hbm>> -> memref<64xi32, #tpu.memory_space<hbm>>
      tpu.enqueue_dma source(%dma_start3A_40 : memref<64xi32, #tpu.memory_space<hbm>>) target(%arg5 : memref<64xi32, #tpu.memory_space<vmem>>) target_semaphore(%run_scoped3A : memref<!tpu.dma_semaphore, #tpu.memory_space<semaphore_mem>>)
      %dma_wait3A_41 = tpu.memref_slice %arg3[%add3A_12] : memref<8192xi32, #tpu.memory_space<hbm>> -> memref<64xi32, #tpu.memory_space<hbm>>
      %dma_wait3A_42 = tpu.memref_slice %arg3[%add3A_12] : memref<8192xi32, #tpu.memory_space<hbm>> -> memref<64xi32, #tpu.memory_space<hbm>>
      tpu.wait_dma2 semaphore(%run_scoped3A : memref<!tpu.dma_semaphore, #tpu.memory_space<semaphore_mem>>) src(%dma_wait3A_42 : memref<64xi32, #tpu.memory_space<hbm>>) dst(%arg5 : memref<64xi32, #tpu.memory_space<vmem>>)
      tpu.yield
    }) : () -> ()
    %dma_start3A_13 = arith.constant 0 : i32
    %dma_start3A_14 = arith.constant 0 : i32
    %dma_start3A_15 = tpu.memref_slice %arg2[%dma_start3A_13, %dma_start3A_14] : memref<2048x1024xf32, #tpu.memory_space<hbm>> -> memref<2048x1024xf32, #tpu.memory_space<hbm>>
    tpu.enqueue_indirect_dma source(%dma_start3A_15 : memref<2048x1024xf32, #tpu.memory_space<hbm>>) target(%arg6 : memref<64x1024xf32, #tpu.memory_space<vmem>>) offsets(%arg5 : memref<64xi32, #tpu.memory_space<vmem>>) semaphore(%arg7 : memref<!tpu.dma_semaphore, #tpu.memory_space<semaphore_mem>>)
    %dma_wait3A_16 = arith.constant 0 : i32
    %dma_wait3A_17 = arith.constant 0 : i32
    %dma_wait3A_18 = tpu.memref_slice %arg2[%dma_wait3A_16, %dma_wait3A_17] : memref<2048x1024xf32, #tpu.memory_space<hbm>> -> memref<2048x1024xf32, #tpu.memory_space<hbm>>
    tpu.wait_indirect_dma semaphore(%arg7 : memref<!tpu.dma_semaphore, #tpu.memory_space<semaphore_mem>>) src(%dma_wait3A_18 : memref<2048x1024xf32, #tpu.memory_space<hbm>>) dst(%arg6 : memref<64x1024xf32, #tpu.memory_space<vmem>>)
    "tpu.region"() ({
      %run_scoped3A = tpu.sem_alloc : memref<!tpu.dma_semaphore, #tpu.memory_space<semaphore_mem>>
      %dma_start3A_39 = arith.constant 0 : i32
      %dma_start3A_40 = tpu.memref_slice %arg4[%add3A_12, %dma_start3A_39] : memref<8192x1024xf32, #tpu.memory_space<hbm>> -> memref<64x1024xf32, #tpu.memory_space<hbm>>
      %dma_start3A_41 = arith.constant 0 : i32
      %dma_start3A_42 = tpu.memref_slice %arg4[%add3A_12, %dma_start3A_41] : memref<8192x1024xf32, #tpu.memory_space<hbm>> -> memref<64x1024xf32, #tpu.memory_space<hbm>>
      tpu.enqueue_dma source(%arg6 : memref<64x1024xf32, #tpu.memory_space<vmem>>) target(%dma_start3A_42 : memref<64x1024xf32, #tpu.memory_space<hbm>>) target_semaphore(%run_scoped3A : memref<!tpu.dma_semaphore, #tpu.memory_space<semaphore_mem>>)
      %dma_wait3A_43 = arith.constant 0 : i32
      %dma_wait3A_44 = tpu.memref_slice %arg4[%add3A_12, %dma_wait3A_43] : memref<8192x1024xf32, #tpu.memory_space<hbm>> -> memref<64x1024xf32, #tpu.memory_space<hbm>>
      %dma_wait3A_45 = arith.constant 0 : i32
      %dma_wait3A_46 = tpu.memref_slice %arg4[%add3A_12, %dma_wait3A_45] : memref<8192x1024xf32, #tpu.memory_space<hbm>> -> memref<64x1024xf32, #tpu.memory_space<hbm>>
      tpu.wait_dma2 semaphore(%run_scoped3A : memref<!tpu.dma_semaphore, #tpu.memory_space<semaphore_mem>>) src(%arg6 : memref<64x1024xf32, #tpu.memory_space<vmem>>) dst(%dma_wait3A_46 : memref<64x1024xf32, #tpu.memory_space<hbm>>)
      tpu.yield
    }) : () -> ()
    %mul3A_19 = arith.constant 256 : i32
    %mul3A_20 = arith.muli %add3A, %mul3A_19 : i32
    %add3A_21 = arith.constant 128 : i32
    %add3A_22 = arith.addi %mul3A_20, %add3A_21 : i32
    "tpu.region"() ({
      %run_scoped3A = tpu.sem_alloc : memref<!tpu.dma_semaphore, #tpu.memory_space<semaphore_mem>>
      %dma_start3A_39 = tpu.memref_slice %arg3[%add3A_22] : memref<8192xi32, #tpu.memory_space<hbm>> -> memref<64xi32, #tpu.memory_space<hbm>>
      %dma_start3A_40 = tpu.memref_slice %arg3[%add3A_22] : memref<8192xi32, #tpu.memory_space<hbm>> -> memref<64xi32, #tpu.memory_space<hbm>>
      tpu.enqueue_dma source(%dma_start3A_40 : memref<64xi32, #tpu.memory_space<hbm>>) target(%arg5 : memref<64xi32, #tpu.memory_space<vmem>>) target_semaphore(%run_scoped3A : memref<!tpu.dma_semaphore, #tpu.memory_space<semaphore_mem>>)
      %dma_wait3A_41 = tpu.memref_slice %arg3[%add3A_22] : memref<8192xi32, #tpu.memory_space<hbm>> -> memref<64xi32, #tpu.memory_space<hbm>>
      %dma_wait3A_42 = tpu.memref_slice %arg3[%add3A_22] : memref<8192xi32, #tpu.memory_space<hbm>> -> memref<64xi32, #tpu.memory_space<hbm>>
      tpu.wait_dma2 semaphore(%run_scoped3A : memref<!tpu.dma_semaphore, #tpu.memory_space<semaphore_mem>>) src(%dma_wait3A_42 : memref<64xi32, #tpu.memory_space<hbm>>) dst(%arg5 : memref<64xi32, #tpu.memory_space<vmem>>)
      tpu.yield
    }) : () -> ()
    %dma_start3A_23 = arith.constant 0 : i32
    %dma_start3A_24 = arith.constant 0 : i32
    %dma_start3A_25 = tpu.memref_slice %arg2[%dma_start3A_23, %dma_start3A_24] : memref<2048x1024xf32, #tpu.memory_space<hbm>> -> memref<2048x1024xf32, #tpu.memory_space<hbm>>
    tpu.enqueue_indirect_dma source(%dma_start3A_25 : memref<2048x1024xf32, #tpu.memory_space<hbm>>) target(%arg6 : memref<64x1024xf32, #tpu.memory_space<vmem>>) offsets(%arg5 : memref<64xi32, #tpu.memory_space<vmem>>) semaphore(%arg7 : memref<!tpu.dma_semaphore, #tpu.memory_space<semaphore_mem>>)
    %dma_wait3A_26 = arith.constant 0 : i32
    %dma_wait3A_27 = arith.constant 0 : i32
    %dma_wait3A_28 = tpu.memref_slice %arg2[%dma_wait3A_26, %dma_wait3A_27] : memref<2048x1024xf32, #tpu.memory_space<hbm>> -> memref<2048x1024xf32, #tpu.memory_space<hbm>>
    tpu.wait_indirect_dma semaphore(%arg7 : memref<!tpu.dma_semaphore, #tpu.memory_space<semaphore_mem>>) src(%dma_wait3A_28 : memref<2048x1024xf32, #tpu.memory_space<hbm>>) dst(%arg6 : memref<64x1024xf32, #tpu.memory_space<vmem>>)
    "tpu.region"() ({
      %run_scoped3A = tpu.sem_alloc : memref<!tpu.dma_semaphore, #tpu.memory_space<semaphore_mem>>
      %dma_start3A_39 = arith.constant 0 : i32
      %dma_start3A_40 = tpu.memref_slice %arg4[%add3A_22, %dma_start3A_39] : memref<8192x1024xf32, #tpu.memory_space<hbm>> -> memref<64x1024xf32, #tpu.memory_space<hbm>>
      %dma_start3A_41 = arith.constant 0 : i32
      %dma_start3A_42 = tpu.memref_slice %arg4[%add3A_22, %dma_start3A_41] : memref<8192x1024xf32, #tpu.memory_space<hbm>> -> memref<64x1024xf32, #tpu.memory_space<hbm>>
      tpu.enqueue_dma source(%arg6 : memref<64x1024xf32, #tpu.memory_space<vmem>>) target(%dma_start3A_42 : memref<64x1024xf32, #tpu.memory_space<hbm>>) target_semaphore(%run_scoped3A : memref<!tpu.dma_semaphore, #tpu.memory_space<semaphore_mem>>)
      %dma_wait3A_43 = arith.constant 0 : i32
      %dma_wait3A_44 = tpu.memref_slice %arg4[%add3A_22, %dma_wait3A_43] : memref<8192x1024xf32, #tpu.memory_space<hbm>> -> memref<64x1024xf32, #tpu.memory_space<hbm>>
      %dma_wait3A_45 = arith.constant 0 : i32
      %dma_wait3A_46 = tpu.memref_slice %arg4[%add3A_22, %dma_wait3A_45] : memref<8192x1024xf32, #tpu.memory_space<hbm>> -> memref<64x1024xf32, #tpu.memory_space<hbm>>
      tpu.wait_dma2 semaphore(%run_scoped3A : memref<!tpu.dma_semaphore, #tpu.memory_space<semaphore_mem>>) src(%arg6 : memref<64x1024xf32, #tpu.memory_space<vmem>>) dst(%dma_wait3A_46 : memref<64x1024xf32, #tpu.memory_space<hbm>>)
      tpu.yield
    }) : () -> ()
    %mul3A_29 = arith.constant 256 : i32
    %mul3A_30 = arith.muli %add3A, %mul3A_29 : i32
    %add3A_31 = arith.constant 192 : i32
    %add3A_32 = arith.addi %mul3A_30, %add3A_31 : i32
    "tpu.region"() ({
      %run_scoped3A = tpu.sem_alloc : memref<!tpu.dma_semaphore, #tpu.memory_space<semaphore_mem>>
      %dma_start3A_39 = tpu.memref_slice %arg3[%add3A_32] : memref<8192xi32, #tpu.memory_space<hbm>> -> memref<64xi32, #tpu.memory_space<hbm>>
      %dma_start3A_40 = tpu.memref_slice %arg3[%add3A_32] : memref<8192xi32, #tpu.memory_space<hbm>> -> memref<64xi32, #tpu.memory_space<hbm>>
      tpu.enqueue_dma source(%dma_start3A_40 : memref<64xi32, #tpu.memory_space<hbm>>) target(%arg5 : memref<64xi32, #tpu.memory_space<vmem>>) target_semaphore(%run_scoped3A : memref<!tpu.dma_semaphore, #tpu.memory_space<semaphore_mem>>)
      %dma_wait3A_41 = tpu.memref_slice %arg3[%add3A_32] : memref<8192xi32, #tpu.memory_space<hbm>> -> memref<64xi32, #tpu.memory_space<hbm>>
      %dma_wait3A_42 = tpu.memref_slice %arg3[%add3A_32] : memref<8192xi32, #tpu.memory_space<hbm>> -> memref<64xi32, #tpu.memory_space<hbm>>
      tpu.wait_dma2 semaphore(%run_scoped3A : memref<!tpu.dma_semaphore, #tpu.memory_space<semaphore_mem>>) src(%dma_wait3A_42 : memref<64xi32, #tpu.memory_space<hbm>>) dst(%arg5 : memref<64xi32, #tpu.memory_space<vmem>>)
      tpu.yield
    }) : () -> ()
    %dma_start3A_33 = arith.constant 0 : i32
    %dma_start3A_34 = arith.constant 0 : i32
    %dma_start3A_35 = tpu.memref_slice %arg2[%dma_start3A_33, %dma_start3A_34] : memref<2048x1024xf32, #tpu.memory_space<hbm>> -> memref<2048x1024xf32, #tpu.memory_space<hbm>>
    tpu.enqueue_indirect_dma source(%dma_start3A_35 : memref<2048x1024xf32, #tpu.memory_space<hbm>>) target(%arg6 : memref<64x1024xf32, #tpu.memory_space<vmem>>) offsets(%arg5 : memref<64xi32, #tpu.memory_space<vmem>>) semaphore(%arg7 : memref<!tpu.dma_semaphore, #tpu.memory_space<semaphore_mem>>)
    %dma_wait3A_36 = arith.constant 0 : i32
    %dma_wait3A_37 = arith.constant 0 : i32
    %dma_wait3A_38 = tpu.memref_slice %arg2[%dma_wait3A_36, %dma_wait3A_37] : memref<2048x1024xf32, #tpu.memory_space<hbm>> -> memref<2048x1024xf32, #tpu.memory_space<hbm>>
    tpu.wait_indirect_dma semaphore(%arg7 : memref<!tpu.dma_semaphore, #tpu.memory_space<semaphore_mem>>) src(%dma_wait3A_38 : memref<2048x1024xf32, #tpu.memory_space<hbm>>) dst(%arg6 : memref<64x1024xf32, #tpu.memory_space<vmem>>)
    "tpu.region"() ({
      %run_scoped3A = tpu.sem_alloc : memref<!tpu.dma_semaphore, #tpu.memory_space<semaphore_mem>>
      %dma_start3A_39 = arith.constant 0 : i32
      %dma_start3A_40 = tpu.memref_slice %arg4[%add3A_32, %dma_start3A_39] : memref<8192x1024xf32, #tpu.memory_space<hbm>> -> memref<64x1024xf32, #tpu.memory_space<hbm>>
      %dma_start3A_41 = arith.constant 0 : i32
      %dma_start3A_42 = tpu.memref_slice %arg4[%add3A_32, %dma_start3A_41] : memref<8192x1024xf32, #tpu.memory_space<hbm>> -> memref<64x1024xf32, #tpu.memory_space<hbm>>
      tpu.enqueue_dma source(%arg6 : memref<64x1024xf32, #tpu.memory_space<vmem>>) target(%dma_start3A_42 : memref<64x1024xf32, #tpu.memory_space<hbm>>) target_semaphore(%run_scoped3A : memref<!tpu.dma_semaphore, #tpu.memory_space<semaphore_mem>>)
      %dma_wait3A_43 = arith.constant 0 : i32
      %dma_wait3A_44 = tpu.memref_slice %arg4[%add3A_32, %dma_wait3A_43] : memref<8192x1024xf32, #tpu.memory_space<hbm>> -> memref<64x1024xf32, #tpu.memory_space<hbm>>
      %dma_wait3A_45 = arith.constant 0 : i32
      %dma_wait3A_46 = tpu.memref_slice %arg4[%add3A_32, %dma_wait3A_45] : memref<8192x1024xf32, #tpu.memory_space<hbm>> -> memref<64x1024xf32, #tpu.memory_space<hbm>>
      tpu.wait_dma2 semaphore(%run_scoped3A : memref<!tpu.dma_semaphore, #tpu.memory_space<semaphore_mem>>) src(%arg6 : memref<64x1024xf32, #tpu.memory_space<vmem>>) dst(%dma_wait3A_46 : memref<64x1024xf32, #tpu.memory_space<hbm>>)
      tpu.yield
    }) : () -> ()
    return
  }
}

#map = affine_map<(d0, d1) -> (0, 0)>
#map1 = affine_map<(d0, d1) -> (0)>
module attributes {stable_mosaic.version = 14 : i64} {
  func.func @k(%arg0: i32, %arg1: i32, %arg2: memref<8192x1024xf32, #tpu.memory_space<hbm>>, %arg3: memref<6144xi32, #tpu.memory_space<hbm>>, %arg4: memref<6144x1024xf32, #tpu.memory_space<hbm>>, %arg5: memref<48xi32, #tpu.memory_space<vmem>>, %arg6: memref<48x1024xf32, #tpu.memory_space<vmem>>, %arg7: memref<!tpu.dma_semaphore, #tpu.memory_space<semaphore_mem>>) attributes {dimension_semantics = [#tpu.dimension_semantics<core_parallel>, #tpu.dimension_semantics<subcore_parallel>], iteration_bounds = array<i64: 2, 16>, scalar_prefetch = 0 : i64, scratch_operands = 3 : i64, tpu.core_type = #tpu.core_type<sc_vector_subcore>, window_params = [{transform_indices = #map}, {transform_indices = #map1}, {transform_indices = #map}]} {
    %mul3A = arith.constant 2 : i32
    %mul3A_0 = arith.muli %arg1, %mul3A : i32
    %add3A = arith.addi %mul3A_0, %arg0 : i32
    %mul3A_1 = arith.constant 192 : i32
    %mul3A_2 = arith.muli %add3A, %mul3A_1 : i32
    %add3A_3 = arith.constant 0 : i32
    %add3A_4 = arith.addi %mul3A_2, %add3A_3 : i32
    "tpu.region"() ({
      %run_scoped3A = tpu.sem_alloc : memref<!tpu.dma_semaphore, #tpu.memory_space<semaphore_mem>>
      %dma_start3A_39 = tpu.memref_slice %arg3[%add3A_4] : memref<6144xi32, #tpu.memory_space<hbm>> -> memref<48xi32, #tpu.memory_space<hbm>>
      %dma_start3A_40 = tpu.memref_slice %arg3[%add3A_4] : memref<6144xi32, #tpu.memory_space<hbm>> -> memref<48xi32, #tpu.memory_space<hbm>>
      tpu.enqueue_dma source(%dma_start3A_40 : memref<48xi32, #tpu.memory_space<hbm>>) target(%arg5 : memref<48xi32, #tpu.memory_space<vmem>>) target_semaphore(%run_scoped3A : memref<!tpu.dma_semaphore, #tpu.memory_space<semaphore_mem>>)
      %dma_wait3A_41 = tpu.memref_slice %arg3[%add3A_4] : memref<6144xi32, #tpu.memory_space<hbm>> -> memref<48xi32, #tpu.memory_space<hbm>>
      %dma_wait3A_42 = tpu.memref_slice %arg3[%add3A_4] : memref<6144xi32, #tpu.memory_space<hbm>> -> memref<48xi32, #tpu.memory_space<hbm>>
      tpu.wait_dma2 semaphore(%run_scoped3A : memref<!tpu.dma_semaphore, #tpu.memory_space<semaphore_mem>>) src(%dma_wait3A_42 : memref<48xi32, #tpu.memory_space<hbm>>) dst(%arg5 : memref<48xi32, #tpu.memory_space<vmem>>)
      tpu.yield
    }) : () -> ()
    %dma_start3A = arith.constant 0 : i32
    %dma_start3A_5 = arith.constant 0 : i32
    %dma_start3A_6 = tpu.memref_slice %arg2[%dma_start3A, %dma_start3A_5] : memref<8192x1024xf32, #tpu.memory_space<hbm>> -> memref<8192x1024xf32, #tpu.memory_space<hbm>>
    tpu.enqueue_indirect_dma source(%dma_start3A_6 : memref<8192x1024xf32, #tpu.memory_space<hbm>>) target(%arg6 : memref<48x1024xf32, #tpu.memory_space<vmem>>) offsets(%arg5 : memref<48xi32, #tpu.memory_space<vmem>>) semaphore(%arg7 : memref<!tpu.dma_semaphore, #tpu.memory_space<semaphore_mem>>)
    %dma_wait3A = arith.constant 0 : i32
    %dma_wait3A_7 = arith.constant 0 : i32
    %dma_wait3A_8 = tpu.memref_slice %arg2[%dma_wait3A, %dma_wait3A_7] : memref<8192x1024xf32, #tpu.memory_space<hbm>> -> memref<8192x1024xf32, #tpu.memory_space<hbm>>
    tpu.wait_indirect_dma semaphore(%arg7 : memref<!tpu.dma_semaphore, #tpu.memory_space<semaphore_mem>>) src(%dma_wait3A_8 : memref<8192x1024xf32, #tpu.memory_space<hbm>>) dst(%arg6 : memref<48x1024xf32, #tpu.memory_space<vmem>>)
    "tpu.region"() ({
      %run_scoped3A = tpu.sem_alloc : memref<!tpu.dma_semaphore, #tpu.memory_space<semaphore_mem>>
      %dma_start3A_39 = arith.constant 0 : i32
      %dma_start3A_40 = tpu.memref_slice %arg4[%add3A_4, %dma_start3A_39] : memref<6144x1024xf32, #tpu.memory_space<hbm>> -> memref<48x1024xf32, #tpu.memory_space<hbm>>
      %dma_start3A_41 = arith.constant 0 : i32
      %dma_start3A_42 = tpu.memref_slice %arg4[%add3A_4, %dma_start3A_41] : memref<6144x1024xf32, #tpu.memory_space<hbm>> -> memref<48x1024xf32, #tpu.memory_space<hbm>>
      tpu.enqueue_dma source(%arg6 : memref<48x1024xf32, #tpu.memory_space<vmem>>) target(%dma_start3A_42 : memref<48x1024xf32, #tpu.memory_space<hbm>>) target_semaphore(%run_scoped3A : memref<!tpu.dma_semaphore, #tpu.memory_space<semaphore_mem>>)
      %dma_wait3A_43 = arith.constant 0 : i32
      %dma_wait3A_44 = tpu.memref_slice %arg4[%add3A_4, %dma_wait3A_43] : memref<6144x1024xf32, #tpu.memory_space<hbm>> -> memref<48x1024xf32, #tpu.memory_space<hbm>>
      %dma_wait3A_45 = arith.constant 0 : i32
      %dma_wait3A_46 = tpu.memref_slice %arg4[%add3A_4, %dma_wait3A_45] : memref<6144x1024xf32, #tpu.memory_space<hbm>> -> memref<48x1024xf32, #tpu.memory_space<hbm>>
      tpu.wait_dma2 semaphore(%run_scoped3A : memref<!tpu.dma_semaphore, #tpu.memory_space<semaphore_mem>>) src(%arg6 : memref<48x1024xf32, #tpu.memory_space<vmem>>) dst(%dma_wait3A_46 : memref<48x1024xf32, #tpu.memory_space<hbm>>)
      tpu.yield
    }) : () -> ()
    %mul3A_9 = arith.constant 192 : i32
    %mul3A_10 = arith.muli %add3A, %mul3A_9 : i32
    %add3A_11 = arith.constant 48 : i32
    %add3A_12 = arith.addi %mul3A_10, %add3A_11 : i32
    "tpu.region"() ({
      %run_scoped3A = tpu.sem_alloc : memref<!tpu.dma_semaphore, #tpu.memory_space<semaphore_mem>>
      %dma_start3A_39 = tpu.memref_slice %arg3[%add3A_12] : memref<6144xi32, #tpu.memory_space<hbm>> -> memref<48xi32, #tpu.memory_space<hbm>>
      %dma_start3A_40 = tpu.memref_slice %arg3[%add3A_12] : memref<6144xi32, #tpu.memory_space<hbm>> -> memref<48xi32, #tpu.memory_space<hbm>>
      tpu.enqueue_dma source(%dma_start3A_40 : memref<48xi32, #tpu.memory_space<hbm>>) target(%arg5 : memref<48xi32, #tpu.memory_space<vmem>>) target_semaphore(%run_scoped3A : memref<!tpu.dma_semaphore, #tpu.memory_space<semaphore_mem>>)
      %dma_wait3A_41 = tpu.memref_slice %arg3[%add3A_12] : memref<6144xi32, #tpu.memory_space<hbm>> -> memref<48xi32, #tpu.memory_space<hbm>>
      %dma_wait3A_42 = tpu.memref_slice %arg3[%add3A_12] : memref<6144xi32, #tpu.memory_space<hbm>> -> memref<48xi32, #tpu.memory_space<hbm>>
      tpu.wait_dma2 semaphore(%run_scoped3A : memref<!tpu.dma_semaphore, #tpu.memory_space<semaphore_mem>>) src(%dma_wait3A_42 : memref<48xi32, #tpu.memory_space<hbm>>) dst(%arg5 : memref<48xi32, #tpu.memory_space<vmem>>)
      tpu.yield
    }) : () -> ()
    %dma_start3A_13 = arith.constant 0 : i32
    %dma_start3A_14 = arith.constant 0 : i32
    %dma_start3A_15 = tpu.memref_slice %arg2[%dma_start3A_13, %dma_start3A_14] : memref<8192x1024xf32, #tpu.memory_space<hbm>> -> memref<8192x1024xf32, #tpu.memory_space<hbm>>
    tpu.enqueue_indirect_dma source(%dma_start3A_15 : memref<8192x1024xf32, #tpu.memory_space<hbm>>) target(%arg6 : memref<48x1024xf32, #tpu.memory_space<vmem>>) offsets(%arg5 : memref<48xi32, #tpu.memory_space<vmem>>) semaphore(%arg7 : memref<!tpu.dma_semaphore, #tpu.memory_space<semaphore_mem>>)
    %dma_wait3A_16 = arith.constant 0 : i32
    %dma_wait3A_17 = arith.constant 0 : i32
    %dma_wait3A_18 = tpu.memref_slice %arg2[%dma_wait3A_16, %dma_wait3A_17] : memref<8192x1024xf32, #tpu.memory_space<hbm>> -> memref<8192x1024xf32, #tpu.memory_space<hbm>>
    tpu.wait_indirect_dma semaphore(%arg7 : memref<!tpu.dma_semaphore, #tpu.memory_space<semaphore_mem>>) src(%dma_wait3A_18 : memref<8192x1024xf32, #tpu.memory_space<hbm>>) dst(%arg6 : memref<48x1024xf32, #tpu.memory_space<vmem>>)
    "tpu.region"() ({
      %run_scoped3A = tpu.sem_alloc : memref<!tpu.dma_semaphore, #tpu.memory_space<semaphore_mem>>
      %dma_start3A_39 = arith.constant 0 : i32
      %dma_start3A_40 = tpu.memref_slice %arg4[%add3A_12, %dma_start3A_39] : memref<6144x1024xf32, #tpu.memory_space<hbm>> -> memref<48x1024xf32, #tpu.memory_space<hbm>>
      %dma_start3A_41 = arith.constant 0 : i32
      %dma_start3A_42 = tpu.memref_slice %arg4[%add3A_12, %dma_start3A_41] : memref<6144x1024xf32, #tpu.memory_space<hbm>> -> memref<48x1024xf32, #tpu.memory_space<hbm>>
      tpu.enqueue_dma source(%arg6 : memref<48x1024xf32, #tpu.memory_space<vmem>>) target(%dma_start3A_42 : memref<48x1024xf32, #tpu.memory_space<hbm>>) target_semaphore(%run_scoped3A : memref<!tpu.dma_semaphore, #tpu.memory_space<semaphore_mem>>)
      %dma_wait3A_43 = arith.constant 0 : i32
      %dma_wait3A_44 = tpu.memref_slice %arg4[%add3A_12, %dma_wait3A_43] : memref<6144x1024xf32, #tpu.memory_space<hbm>> -> memref<48x1024xf32, #tpu.memory_space<hbm>>
      %dma_wait3A_45 = arith.constant 0 : i32
      %dma_wait3A_46 = tpu.memref_slice %arg4[%add3A_12, %dma_wait3A_45] : memref<6144x1024xf32, #tpu.memory_space<hbm>> -> memref<48x1024xf32, #tpu.memory_space<hbm>>
      tpu.wait_dma2 semaphore(%run_scoped3A : memref<!tpu.dma_semaphore, #tpu.memory_space<semaphore_mem>>) src(%arg6 : memref<48x1024xf32, #tpu.memory_space<vmem>>) dst(%dma_wait3A_46 : memref<48x1024xf32, #tpu.memory_space<hbm>>)
      tpu.yield
    }) : () -> ()
    %mul3A_19 = arith.constant 192 : i32
    %mul3A_20 = arith.muli %add3A, %mul3A_19 : i32
    %add3A_21 = arith.constant 96 : i32
    %add3A_22 = arith.addi %mul3A_20, %add3A_21 : i32
    "tpu.region"() ({
      %run_scoped3A = tpu.sem_alloc : memref<!tpu.dma_semaphore, #tpu.memory_space<semaphore_mem>>
      %dma_start3A_39 = tpu.memref_slice %arg3[%add3A_22] : memref<6144xi32, #tpu.memory_space<hbm>> -> memref<48xi32, #tpu.memory_space<hbm>>
      %dma_start3A_40 = tpu.memref_slice %arg3[%add3A_22] : memref<6144xi32, #tpu.memory_space<hbm>> -> memref<48xi32, #tpu.memory_space<hbm>>
      tpu.enqueue_dma source(%dma_start3A_40 : memref<48xi32, #tpu.memory_space<hbm>>) target(%arg5 : memref<48xi32, #tpu.memory_space<vmem>>) target_semaphore(%run_scoped3A : memref<!tpu.dma_semaphore, #tpu.memory_space<semaphore_mem>>)
      %dma_wait3A_41 = tpu.memref_slice %arg3[%add3A_22] : memref<6144xi32, #tpu.memory_space<hbm>> -> memref<48xi32, #tpu.memory_space<hbm>>
      %dma_wait3A_42 = tpu.memref_slice %arg3[%add3A_22] : memref<6144xi32, #tpu.memory_space<hbm>> -> memref<48xi32, #tpu.memory_space<hbm>>
      tpu.wait_dma2 semaphore(%run_scoped3A : memref<!tpu.dma_semaphore, #tpu.memory_space<semaphore_mem>>) src(%dma_wait3A_42 : memref<48xi32, #tpu.memory_space<hbm>>) dst(%arg5 : memref<48xi32, #tpu.memory_space<vmem>>)
      tpu.yield
    }) : () -> ()
    %dma_start3A_23 = arith.constant 0 : i32
    %dma_start3A_24 = arith.constant 0 : i32
    %dma_start3A_25 = tpu.memref_slice %arg2[%dma_start3A_23, %dma_start3A_24] : memref<8192x1024xf32, #tpu.memory_space<hbm>> -> memref<8192x1024xf32, #tpu.memory_space<hbm>>
    tpu.enqueue_indirect_dma source(%dma_start3A_25 : memref<8192x1024xf32, #tpu.memory_space<hbm>>) target(%arg6 : memref<48x1024xf32, #tpu.memory_space<vmem>>) offsets(%arg5 : memref<48xi32, #tpu.memory_space<vmem>>) semaphore(%arg7 : memref<!tpu.dma_semaphore, #tpu.memory_space<semaphore_mem>>)
    %dma_wait3A_26 = arith.constant 0 : i32
    %dma_wait3A_27 = arith.constant 0 : i32
    %dma_wait3A_28 = tpu.memref_slice %arg2[%dma_wait3A_26, %dma_wait3A_27] : memref<8192x1024xf32, #tpu.memory_space<hbm>> -> memref<8192x1024xf32, #tpu.memory_space<hbm>>
    tpu.wait_indirect_dma semaphore(%arg7 : memref<!tpu.dma_semaphore, #tpu.memory_space<semaphore_mem>>) src(%dma_wait3A_28 : memref<8192x1024xf32, #tpu.memory_space<hbm>>) dst(%arg6 : memref<48x1024xf32, #tpu.memory_space<vmem>>)
    "tpu.region"() ({
      %run_scoped3A = tpu.sem_alloc : memref<!tpu.dma_semaphore, #tpu.memory_space<semaphore_mem>>
      %dma_start3A_39 = arith.constant 0 : i32
      %dma_start3A_40 = tpu.memref_slice %arg4[%add3A_22, %dma_start3A_39] : memref<6144x1024xf32, #tpu.memory_space<hbm>> -> memref<48x1024xf32, #tpu.memory_space<hbm>>
      %dma_start3A_41 = arith.constant 0 : i32
      %dma_start3A_42 = tpu.memref_slice %arg4[%add3A_22, %dma_start3A_41] : memref<6144x1024xf32, #tpu.memory_space<hbm>> -> memref<48x1024xf32, #tpu.memory_space<hbm>>
      tpu.enqueue_dma source(%arg6 : memref<48x1024xf32, #tpu.memory_space<vmem>>) target(%dma_start3A_42 : memref<48x1024xf32, #tpu.memory_space<hbm>>) target_semaphore(%run_scoped3A : memref<!tpu.dma_semaphore, #tpu.memory_space<semaphore_mem>>)
      %dma_wait3A_43 = arith.constant 0 : i32
      %dma_wait3A_44 = tpu.memref_slice %arg4[%add3A_22, %dma_wait3A_43] : memref<6144x1024xf32, #tpu.memory_space<hbm>> -> memref<48x1024xf32, #tpu.memory_space<hbm>>
      %dma_wait3A_45 = arith.constant 0 : i32
      %dma_wait3A_46 = tpu.memref_slice %arg4[%add3A_22, %dma_wait3A_45] : memref<6144x1024xf32, #tpu.memory_space<hbm>> -> memref<48x1024xf32, #tpu.memory_space<hbm>>
      tpu.wait_dma2 semaphore(%run_scoped3A : memref<!tpu.dma_semaphore, #tpu.memory_space<semaphore_mem>>) src(%arg6 : memref<48x1024xf32, #tpu.memory_space<vmem>>) dst(%dma_wait3A_46 : memref<48x1024xf32, #tpu.memory_space<hbm>>)
      tpu.yield
    }) : () -> ()
    %mul3A_29 = arith.constant 192 : i32
    %mul3A_30 = arith.muli %add3A, %mul3A_29 : i32
    %add3A_31 = arith.constant 144 : i32
    %add3A_32 = arith.addi %mul3A_30, %add3A_31 : i32
    "tpu.region"() ({
      %run_scoped3A = tpu.sem_alloc : memref<!tpu.dma_semaphore, #tpu.memory_space<semaphore_mem>>
      %dma_start3A_39 = tpu.memref_slice %arg3[%add3A_32] : memref<6144xi32, #tpu.memory_space<hbm>> -> memref<48xi32, #tpu.memory_space<hbm>>
      %dma_start3A_40 = tpu.memref_slice %arg3[%add3A_32] : memref<6144xi32, #tpu.memory_space<hbm>> -> memref<48xi32, #tpu.memory_space<hbm>>
      tpu.enqueue_dma source(%dma_start3A_40 : memref<48xi32, #tpu.memory_space<hbm>>) target(%arg5 : memref<48xi32, #tpu.memory_space<vmem>>) target_semaphore(%run_scoped3A : memref<!tpu.dma_semaphore, #tpu.memory_space<semaphore_mem>>)
      %dma_wait3A_41 = tpu.memref_slice %arg3[%add3A_32] : memref<6144xi32, #tpu.memory_space<hbm>> -> memref<48xi32, #tpu.memory_space<hbm>>
      %dma_wait3A_42 = tpu.memref_slice %arg3[%add3A_32] : memref<6144xi32, #tpu.memory_space<hbm>> -> memref<48xi32, #tpu.memory_space<hbm>>
      tpu.wait_dma2 semaphore(%run_scoped3A : memref<!tpu.dma_semaphore, #tpu.memory_space<semaphore_mem>>) src(%dma_wait3A_42 : memref<48xi32, #tpu.memory_space<hbm>>) dst(%arg5 : memref<48xi32, #tpu.memory_space<vmem>>)
      tpu.yield
    }) : () -> ()
    %dma_start3A_33 = arith.constant 0 : i32
    %dma_start3A_34 = arith.constant 0 : i32
    %dma_start3A_35 = tpu.memref_slice %arg2[%dma_start3A_33, %dma_start3A_34] : memref<8192x1024xf32, #tpu.memory_space<hbm>> -> memref<8192x1024xf32, #tpu.memory_space<hbm>>
    tpu.enqueue_indirect_dma source(%dma_start3A_35 : memref<8192x1024xf32, #tpu.memory_space<hbm>>) target(%arg6 : memref<48x1024xf32, #tpu.memory_space<vmem>>) offsets(%arg5 : memref<48xi32, #tpu.memory_space<vmem>>) semaphore(%arg7 : memref<!tpu.dma_semaphore, #tpu.memory_space<semaphore_mem>>)
    %dma_wait3A_36 = arith.constant 0 : i32
    %dma_wait3A_37 = arith.constant 0 : i32
    %dma_wait3A_38 = tpu.memref_slice %arg2[%dma_wait3A_36, %dma_wait3A_37] : memref<8192x1024xf32, #tpu.memory_space<hbm>> -> memref<8192x1024xf32, #tpu.memory_space<hbm>>
    tpu.wait_indirect_dma semaphore(%arg7 : memref<!tpu.dma_semaphore, #tpu.memory_space<semaphore_mem>>) src(%dma_wait3A_38 : memref<8192x1024xf32, #tpu.memory_space<hbm>>) dst(%arg6 : memref<48x1024xf32, #tpu.memory_space<vmem>>)
    "tpu.region"() ({
      %run_scoped3A = tpu.sem_alloc : memref<!tpu.dma_semaphore, #tpu.memory_space<semaphore_mem>>
      %dma_start3A_39 = arith.constant 0 : i32
      %dma_start3A_40 = tpu.memref_slice %arg4[%add3A_32, %dma_start3A_39] : memref<6144x1024xf32, #tpu.memory_space<hbm>> -> memref<48x1024xf32, #tpu.memory_space<hbm>>
      %dma_start3A_41 = arith.constant 0 : i32
      %dma_start3A_42 = tpu.memref_slice %arg4[%add3A_32, %dma_start3A_41] : memref<6144x1024xf32, #tpu.memory_space<hbm>> -> memref<48x1024xf32, #tpu.memory_space<hbm>>
      tpu.enqueue_dma source(%arg6 : memref<48x1024xf32, #tpu.memory_space<vmem>>) target(%dma_start3A_42 : memref<48x1024xf32, #tpu.memory_space<hbm>>) target_semaphore(%run_scoped3A : memref<!tpu.dma_semaphore, #tpu.memory_space<semaphore_mem>>)
      %dma_wait3A_43 = arith.constant 0 : i32
      %dma_wait3A_44 = tpu.memref_slice %arg4[%add3A_32, %dma_wait3A_43] : memref<6144x1024xf32, #tpu.memory_space<hbm>> -> memref<48x1024xf32, #tpu.memory_space<hbm>>
      %dma_wait3A_45 = arith.constant 0 : i32
      %dma_wait3A_46 = tpu.memref_slice %arg4[%add3A_32, %dma_wait3A_45] : memref<6144x1024xf32, #tpu.memory_space<hbm>> -> memref<48x1024xf32, #tpu.memory_space<hbm>>
      tpu.wait_dma2 semaphore(%run_scoped3A : memref<!tpu.dma_semaphore, #tpu.memory_space<semaphore_mem>>) src(%arg6 : memref<48x1024xf32, #tpu.memory_space<vmem>>) dst(%dma_wait3A_46 : memref<48x1024xf32, #tpu.memory_space<hbm>>)
      tpu.yield
    }) : () -> ()
    return
  }
}

module attributes {stable_mosaic.version = 14 : i64} {
  func.func @_attn_body(%arg0: i32, %arg1: i32, %arg2: memref<512x128xf32, #tpu.memory_space<vmem>>, %arg3: memref<2048x128xf32, #tpu.memory_space<vmem>>, %arg4: memref<2048x128xf32, #tpu.memory_space<vmem>>, %arg5: memref<512x128xf32, #tpu.memory_space<vmem>>) attributes {dimension_semantics = [#tpu.dimension_semantics<arbitrary>, #tpu.dimension_semantics<arbitrary>], iteration_bounds = array<i64: 8, 4>, scalar_prefetch = 0 : i64, scratch_operands = 0 : i64, tpu.core_type = #tpu.core_type<tc>, window_params = [{transform_indices = @transform_0, window_bounds = array<i64: 512, 128>}, {transform_indices = @transform_1, window_bounds = array<i64: 2048, 128>}, {transform_indices = @transform_2, window_bounds = array<i64: 2048, 128>}, {transform_indices = @transform_3, window_bounds = array<i64: 512, 128>}]} {
    %get3A = arith.constant 0 : index
    %get3A_0 = arith.constant 0 : index
    %get3A_1 = vector.load %arg2[%get3A, %get3A_0] : memref<512x128xf32, #tpu.memory_space<vmem>>, vector<512x64xf32>
    %get3A_2 = arith.constant 0 : index
    %get3A_3 = arith.constant 0 : index
    %get3A_4 = vector.load %arg3[%get3A_2, %get3A_3] : memref<2048x128xf32, #tpu.memory_space<vmem>>, vector<2048x64xf32>
    %get3A_5 = arith.constant 0 : index
    %get3A_6 = arith.constant 0 : index
    %get3A_7 = vector.load %arg4[%get3A_5, %get3A_6] : memref<2048x128xf32, #tpu.memory_space<vmem>>, vector<2048x64xf32>
    %dot_general3A = arith.constant dense<0.000000e+00> : vector<512x2048xf32>
    %dot_general3A_8 = tpu.matmul %get3A_1, %get3A_4, %dot_general3A {dimension_numbers = #tpu.dot_dimension_numbers<[1], [1], [0], [0], [0, 0, 1, 0], [], []>, transpose_lhs_hint = false} : vector<512x64xf32>, vector<2048x64xf32>, vector<512x2048xf32> -> vector<512x2048xf32>
    %mul3A = arith.constant 1.250000e-01 : f32
    %mul3A_9 = vector.broadcast %mul3A : f32 to vector<512x2048xf32>
    %mul3A_10 = arith.mulf %dot_general3A_8, %mul3A_9 : vector<512x2048xf32>
    %reduce_max3A = arith.constant dense<0xFF800000> : vector<512xf32>
    %reduce_max3A_11 = vector.multi_reduction <maximumf>, %mul3A_10, %reduce_max3A [1] : vector<512x2048xf32> to vector<512xf32>
    %broadcast_in_dim3A = vector.shape_cast %reduce_max3A_11 : vector<512xf32> to vector<512x1xf32>
    %sub3A = vector.broadcast %broadcast_in_dim3A : vector<512x1xf32> to vector<512x2048xf32>
    %sub3A_12 = arith.subf %mul3A_10, %sub3A : vector<512x2048xf32>
    %exp3A = math.exp %sub3A_12 : vector<512x2048xf32>
    %dot_general3A_13 = arith.constant dense<0.000000e+00> : vector<512x64xf32>
    %dot_general3A_14 = tpu.matmul %exp3A, %get3A_7, %dot_general3A_13 {dimension_numbers = #tpu.dot_dimension_numbers<[1], [0], [0], [1], [0, 0, 1, 1], [], []>, transpose_lhs_hint = false} : vector<512x2048xf32>, vector<2048x64xf32>, vector<512x64xf32> -> vector<512x64xf32>
    %reduce_sum3A = arith.constant dense<0.000000e+00> : vector<512xf32>
    %reduce_sum3A_15 = vector.multi_reduction <add>, %exp3A, %reduce_sum3A [1] : vector<512x2048xf32> to vector<512xf32>
    %broadcast_in_dim3A_16 = vector.shape_cast %reduce_sum3A_15 : vector<512xf32> to vector<512x1xf32>
    %div3A = vector.broadcast %broadcast_in_dim3A_16 : vector<512x1xf32> to vector<512x64xf32>
    %div3A_17 = arith.divf %dot_general3A_14, %div3A : vector<512x64xf32>
    %swap3A = arith.constant 0 : index
    %swap3A_18 = arith.constant 0 : index
    %swap3A_19 = vector.load %arg5[%swap3A, %swap3A_18] : memref<512x128xf32, #tpu.memory_space<vmem>>, vector<512x64xf32>
    tpu.vector_store %arg5[%swap3A, %swap3A_18], %div3A_17 {strides = array<i32>} : memref<512x128xf32, #tpu.memory_space<vmem>>, vector<512x64xf32>,
    %get3A_20 = arith.constant 0 : index
    %get3A_21 = arith.constant 64 : index
    %get3A_22 = vector.load %arg2[%get3A_20, %get3A_21] : memref<512x128xf32, #tpu.memory_space<vmem>>, vector<512x64xf32>
    %get3A_23 = arith.constant 0 : index
    %get3A_24 = arith.constant 64 : index
    %get3A_25 = vector.load %arg3[%get3A_23, %get3A_24] : memref<2048x128xf32, #tpu.memory_space<vmem>>, vector<2048x64xf32>
    %get3A_26 = arith.constant 0 : index
    %get3A_27 = arith.constant 64 : index
    %get3A_28 = vector.load %arg4[%get3A_26, %get3A_27] : memref<2048x128xf32, #tpu.memory_space<vmem>>, vector<2048x64xf32>
    %dot_general3A_29 = arith.constant dense<0.000000e+00> : vector<512x2048xf32>
    %dot_general3A_30 = tpu.matmul %get3A_22, %get3A_25, %dot_general3A_29 {dimension_numbers = #tpu.dot_dimension_numbers<[1], [1], [0], [0], [0, 0, 1, 0], [], []>, transpose_lhs_hint = false} : vector<512x64xf32>, vector<2048x64xf32>, vector<512x2048xf32> -> vector<512x2048xf32>
    %mul3A_31 = arith.constant 1.250000e-01 : f32
    %mul3A_32 = vector.broadcast %mul3A_31 : f32 to vector<512x2048xf32>
    %mul3A_33 = arith.mulf %dot_general3A_30, %mul3A_32 : vector<512x2048xf32>
    %reduce_max3A_34 = arith.constant dense<0xFF800000> : vector<512xf32>
    %reduce_max3A_35 = vector.multi_reduction <maximumf>, %mul3A_33, %reduce_max3A_34 [1] : vector<512x2048xf32> to vector<512xf32>
    %broadcast_in_dim3A_36 = vector.shape_cast %reduce_max3A_35 : vector<512xf32> to vector<512x1xf32>
    %sub3A_37 = vector.broadcast %broadcast_in_dim3A_36 : vector<512x1xf32> to vector<512x2048xf32>
    %sub3A_38 = arith.subf %mul3A_33, %sub3A_37 : vector<512x2048xf32>
    %exp3A_39 = math.exp %sub3A_38 : vector<512x2048xf32>
    %dot_general3A_40 = arith.constant dense<0.000000e+00> : vector<512x64xf32>
    %dot_general3A_41 = tpu.matmul %exp3A_39, %get3A_28, %dot_general3A_40 {dimension_numbers = #tpu.dot_dimension_numbers<[1], [0], [0], [1], [0, 0, 1, 1], [], []>, transpose_lhs_hint = false} : vector<512x2048xf32>, vector<2048x64xf32>, vector<512x64xf32> -> vector<512x64xf32>
    %reduce_sum3A_42 = arith.constant dense<0.000000e+00> : vector<512xf32>
    %reduce_sum3A_43 = vector.multi_reduction <add>, %exp3A_39, %reduce_sum3A_42 [1] : vector<512x2048xf32> to vector<512xf32>
    %broadcast_in_dim3A_44 = vector.shape_cast %reduce_sum3A_43 : vector<512xf32> to vector<512x1xf32>
    %div3A_45 = vector.broadcast %broadcast_in_dim3A_44 : vector<512x1xf32> to vector<512x64xf32>
    %div3A_46 = arith.divf %dot_general3A_41, %div3A_45 : vector<512x64xf32>
    %swap3A_47 = arith.constant 0 : index
    %swap3A_48 = arith.constant 64 : index
    %swap3A_49 = vector.load %arg5[%swap3A_47, %swap3A_48] : memref<512x128xf32, #tpu.memory_space<vmem>>, vector<512x64xf32>
    tpu.vector_store %arg5[%swap3A_47, %swap3A_48], %div3A_46 {strides = array<i32>} : memref<512x128xf32, #tpu.memory_space<vmem>>, vector<512x64xf32>,
    return
  }
  func.func @transform_0(%arg0: i32, %arg1: i32) -> (i32, i32) {
    %c0_i32 = arith.constant 0 : i32
    return %arg1, %arg0 : i32, i32
  }
  func.func @transform_1(%arg0: i32, %arg1: i32) -> (i32, i32) {
    %add3A = arith.constant 8 : i32
    %add3A_0 = arith.addi %add3A, %arg0 : i32
    %c0_i32 = arith.constant 0 : i32
    %c0_i32_1 = arith.constant 0 : i32
    return %c0_i32, %add3A_0 : i32, i32
  }
  func.func @transform_2(%arg0: i32, %arg1: i32) -> (i32, i32) {
    %add3A = arith.constant 16 : i32
    %add3A_0 = arith.addi %add3A, %arg0 : i32
    %c0_i32 = arith.constant 0 : i32
    %c0_i32_1 = arith.constant 0 : i32
    return %c0_i32, %add3A_0 : i32, i32
  }
  func.func @transform_3(%arg0: i32, %arg1: i32) -> (i32, i32) {
    %c0_i32 = arith.constant 0 : i32
    return %arg1, %arg0 : i32, i32
  }
}

module attributes {stable_mosaic.version = 14 : i64} {
  func.func @_qkv_body(%arg0: i32, %arg1: i32, %arg2: memref<256x1024xf32, #tpu.memory_space<vmem>>, %arg3: memref<512x1024xf32, #tpu.memory_space<vmem>>, %arg4: memref<1x512xf32, #tpu.memory_space<vmem>>, %arg5: memref<256x512xf32, #tpu.memory_space<vmem>>) attributes {dimension_semantics = [#tpu.dimension_semantics<arbitrary>, #tpu.dimension_semantics<arbitrary>], iteration_bounds = array<i64: 6, 8>, scalar_prefetch = 0 : i64, scratch_operands = 0 : i64, tpu.core_type = #tpu.core_type<tc>, window_params = [{transform_indices = @transform_0, window_bounds = array<i64: 256, 1024>}, {transform_indices = @transform_1, window_bounds = array<i64: 512, 1024>}, {transform_indices = @transform_2, window_bounds = array<i64: 1, 512>}, {transform_indices = @transform_3, window_bounds = array<i64: 256, 512>}]} {
    %get3A = arith.constant 0 : index
    %get3A_0 = arith.constant 0 : index
    %get3A_1 = vector.load %arg2[%get3A, %get3A_0] : memref<256x1024xf32, #tpu.memory_space<vmem>>, vector<256x1024xf32>
    %get3A_2 = arith.constant 0 : index
    %get3A_3 = arith.constant 0 : index
    %get3A_4 = vector.load %arg3[%get3A_2, %get3A_3] : memref<512x1024xf32, #tpu.memory_space<vmem>>, vector<512x1024xf32>
    %dot_general3A = arith.constant dense<0.000000e+00> : vector<256x512xf32>
    %dot_general3A_5 = tpu.matmul %get3A_1, %get3A_4, %dot_general3A {dimension_numbers = #tpu.dot_dimension_numbers<[1], [1], [0], [0], [0, 0, 1, 0], [], []>, transpose_lhs_hint = false} : vector<256x1024xf32>, vector<512x1024xf32>, vector<256x512xf32> -> vector<256x512xf32>
    %get3A_6 = arith.constant 0 : index
    %get3A_7 = arith.constant 0 : index
    %get3A_8 = vector.load %arg4[%get3A_6, %get3A_7] : memref<1x512xf32, #tpu.memory_space<vmem>>, vector<1x512xf32>
    %get3A_9 = vector.shape_cast %get3A_8 : vector<1x512xf32> to vector<512xf32>
    %broadcast_in_dim3A = vector.shape_cast %get3A_9 : vector<512xf32> to vector<1x512xf32>
    %add3A = vector.broadcast %broadcast_in_dim3A : vector<1x512xf32> to vector<256x512xf32>
    %add3A_10 = arith.addf %dot_general3A_5, %add3A : vector<256x512xf32>
    %swap3A = arith.constant 0 : index
    %swap3A_11 = arith.constant 0 : index
    %swap3A_12 = vector.load %arg5[%swap3A, %swap3A_11] : memref<256x512xf32, #tpu.memory_space<vmem>>, vector<256x512xf32>
    tpu.vector_store %arg5[%swap3A, %swap3A_11], %add3A_10 {strides = array<i32>} : memref<256x512xf32, #tpu.memory_space<vmem>>, vector<256x512xf32>,
    return
  }
  func.func @transform_0(%arg0: i32, %arg1: i32) -> (i32, i32) {
    %c0_i32 = arith.constant 0 : i32
    %c0_i32_0 = arith.constant 0 : i32
    return %arg1, %c0_i32 : i32, i32
  }
  func.func @transform_1(%arg0: i32, %arg1: i32) -> (i32, i32) {
    %c0_i32 = arith.constant 0 : i32
    %c0_i32_0 = arith.constant 0 : i32
    return %arg0, %c0_i32 : i32, i32
  }
  func.func @transform_2(%arg0: i32, %arg1: i32) -> (i32, i32) {
    %c0_i32 = arith.constant 0 : i32
    %c0_i32_0 = arith.constant 0 : i32
    return %c0_i32, %arg0 : i32, i32
  }
  func.func @transform_3(%arg0: i32, %arg1: i32) -> (i32, i32) {
    %c0_i32 = arith.constant 0 : i32
    return %arg1, %arg0 : i32, i32
  }
}

module attributes {stable_mosaic.version = 14 : i64} {
  func.func @_ln1_router_body(%arg0: i32, %arg1: memref<256x1024xf32, #tpu.memory_space<vmem>>, %arg2: memref<1024x1024xf32, #tpu.memory_space<vmem>>, %arg3: memref<1x1024xf32, #tpu.memory_space<vmem>>, %arg4: memref<256x1024xf32, #tpu.memory_space<vmem>>, %arg5: memref<1x1024xf32, #tpu.memory_space<vmem>>, %arg6: memref<1x1024xf32, #tpu.memory_space<vmem>>, %arg7: memref<128x1024xf32, #tpu.memory_space<vmem>>, %arg8: memref<256x1024xf32, #tpu.memory_space<vmem>>, %arg9: memref<256x128xi32, #tpu.memory_space<vmem>>, %arg10: memref<256x128xf32, #tpu.memory_space<vmem>>, %arg11: memref<8x128xf32, #tpu.memory_space<vmem>>) attributes {dimension_semantics = [#tpu.dimension_semantics<arbitrary>], iteration_bounds = array<i64: 8>, scalar_prefetch = 0 : i64, scratch_operands = 0 : i64, tpu.core_type = #tpu.core_type<tc>, window_params = [{transform_indices = @transform_0, window_bounds = array<i64: 256, 1024>}, {pipeline_mode = #tpu.pipeline_mode<synchronous>, transform_indices = @transform_1, window_bounds = array<i64: 1024, 1024>}, {pipeline_mode = #tpu.pipeline_mode<synchronous>, transform_indices = @transform_2, window_bounds = array<i64: 1, 1024>}, {transform_indices = @transform_3, window_bounds = array<i64: 256, 1024>}, {pipeline_mode = #tpu.pipeline_mode<synchronous>, transform_indices = @transform_4, window_bounds = array<i64: 1, 1024>}, {pipeline_mode = #tpu.pipeline_mode<synchronous>, transform_indices = @transform_5, window_bounds = array<i64: 1, 1024>}, {pipeline_mode = #tpu.pipeline_mode<synchronous>, transform_indices = @transform_6, window_bounds = array<i64: 128, 1024>}, {transform_indices = @transform_7, window_bounds = array<i64: 256, 1024>}, {transform_indices = @transform_8, window_bounds = array<i64: 256, 128>}, {transform_indices = @transform_9, window_bounds = array<i64: 256, 128>}, {pipeline_mode = #tpu.pipeline_mode<synchronous>, transform_indices = @transform_10, window_bounds = array<i64: 8, 128>}]} {
    %get3A = arith.constant 0 : index
    %get3A_0 = arith.constant 0 : index
    %get3A_1 = vector.load %arg1[%get3A, %get3A_0] : memref<256x1024xf32, #tpu.memory_space<vmem>>, vector<256x1024xf32>
    %get3A_2 = arith.constant 0 : index
    %get3A_3 = arith.constant 0 : index
    %get3A_4 = vector.load %arg2[%get3A_2, %get3A_3] : memref<1024x1024xf32, #tpu.memory_space<vmem>>, vector<1024x1024xf32>
    %dot_general3A = arith.constant dense<0.000000e+00> : vector<256x1024xf32>
    %dot_general3A_5 = tpu.matmul %get3A_1, %get3A_4, %dot_general3A {dimension_numbers = #tpu.dot_dimension_numbers<[1], [1], [0], [0], [0, 0, 1, 0], [], []>, transpose_lhs_hint = false} : vector<256x1024xf32>, vector<1024x1024xf32>, vector<256x1024xf32> -> vector<256x1024xf32>
    %get3A_6 = arith.constant 0 : index
    %get3A_7 = arith.constant 0 : index
    %get3A_8 = vector.load %arg3[%get3A_6, %get3A_7] : memref<1x1024xf32, #tpu.memory_space<vmem>>, vector<1x1024xf32>
    %get3A_9 = vector.shape_cast %get3A_8 : vector<1x1024xf32> to vector<1024xf32>
    %broadcast_in_dim3A = vector.shape_cast %get3A_9 : vector<1024xf32> to vector<1x1024xf32>
    %add3A = vector.broadcast %broadcast_in_dim3A : vector<1x1024xf32> to vector<256x1024xf32>
    %add3A_10 = arith.addf %dot_general3A_5, %add3A : vector<256x1024xf32>
    %get3A_11 = arith.constant 0 : index
    %get3A_12 = arith.constant 0 : index
    %get3A_13 = vector.load %arg4[%get3A_11, %get3A_12] : memref<256x1024xf32, #tpu.memory_space<vmem>>, vector<256x1024xf32>
    %add3A_14 = arith.addf %add3A_10, %get3A_13 : vector<256x1024xf32>
    %reduce_sum3A = arith.constant dense<0.000000e+00> : vector<256xf32>
    %reduce_sum3A_15 = vector.multi_reduction <add>, %add3A_14, %reduce_sum3A [1] : vector<256x1024xf32> to vector<256xf32>
    %broadcast_in_dim3A_16 = vector.shape_cast %reduce_sum3A_15 : vector<256xf32> to vector<256x1xf32>
    %div3A = arith.constant 1.024000e+03 : f32
    %div3A_17 = vector.broadcast %div3A : f32 to vector<256x1xf32>
    %div3A_18 = arith.divf %broadcast_in_dim3A_16, %div3A_17 : vector<256x1xf32>
    %sub3A = vector.broadcast %div3A_18 : vector<256x1xf32> to vector<256x1024xf32>
    %sub3A_19 = arith.subf %add3A_14, %sub3A : vector<256x1024xf32>
    %mul3A = arith.mulf %sub3A_19, %sub3A_19 : vector<256x1024xf32>
    %reduce_sum3A_20 = arith.constant dense<0.000000e+00> : vector<256xf32>
    %reduce_sum3A_21 = vector.multi_reduction <add>, %mul3A, %reduce_sum3A_20 [1] : vector<256x1024xf32> to vector<256xf32>
    %broadcast_in_dim3A_22 = vector.shape_cast %reduce_sum3A_21 : vector<256xf32> to vector<256x1xf32>
    %div3A_23 = arith.constant 1.024000e+03 : f32
    %div3A_24 = vector.broadcast %div3A_23 : f32 to vector<256x1xf32>
    %div3A_25 = arith.divf %broadcast_in_dim3A_22, %div3A_24 : vector<256x1xf32>
    %add3A_26 = arith.constant 9.99999974E-6 : f32
    %add3A_27 = vector.broadcast %add3A_26 : f32 to vector<256x1xf32>
    %add3A_28 = arith.addf %div3A_25, %add3A_27 : vector<256x1xf32>
    %sqrt3A = math.sqrt %add3A_28 : vector<256x1xf32>
    %div3A_29 = vector.broadcast %sqrt3A : vector<256x1xf32> to vector<256x1024xf32>
    %div3A_30 = arith.divf %sub3A_19, %div3A_29 : vector<256x1024xf32>
    %get3A_31 = arith.constant 0 : index
    %get3A_32 = arith.constant 0 : index
    %get3A_33 = vector.load %arg5[%get3A_31, %get3A_32] : memref<1x1024xf32, #tpu.memory_space<vmem>>, vector<1x1024xf32>
    %get3A_34 = vector.shape_cast %get3A_33 : vector<1x1024xf32> to vector<1024xf32>
    %broadcast_in_dim3A_35 = vector.shape_cast %get3A_34 : vector<1024xf32> to vector<1x1024xf32>
    %mul3A_36 = vector.broadcast %broadcast_in_dim3A_35 : vector<1x1024xf32> to vector<256x1024xf32>
    %mul3A_37 = arith.mulf %div3A_30, %mul3A_36 : vector<256x1024xf32>
    %get3A_38 = arith.constant 0 : index
    %get3A_39 = arith.constant 0 : index
    %get3A_40 = vector.load %arg6[%get3A_38, %get3A_39] : memref<1x1024xf32, #tpu.memory_space<vmem>>, vector<1x1024xf32>
    %get3A_41 = vector.shape_cast %get3A_40 : vector<1x1024xf32> to vector<1024xf32>
    %broadcast_in_dim3A_42 = vector.shape_cast %get3A_41 : vector<1024xf32> to vector<1x1024xf32>
    %add3A_43 = vector.broadcast %broadcast_in_dim3A_42 : vector<1x1024xf32> to vector<256x1024xf32>
    %add3A_44 = arith.addf %mul3A_37, %add3A_43 : vector<256x1024xf32>
    %swap3A = arith.constant 0 : index
    %swap3A_45 = arith.constant 0 : index
    %swap3A_46 = vector.load %arg8[%swap3A, %swap3A_45] : memref<256x1024xf32, #tpu.memory_space<vmem>>, vector<256x1024xf32>
    tpu.vector_store %arg8[%swap3A, %swap3A_45], %add3A_44 {strides = array<i32>} : memref<256x1024xf32, #tpu.memory_space<vmem>>, vector<256x1024xf32>,
    %get3A_47 = arith.constant 0 : index
    %get3A_48 = arith.constant 0 : index
    %get3A_49 = vector.load %arg7[%get3A_47, %get3A_48] : memref<128x1024xf32, #tpu.memory_space<vmem>>, vector<128x1024xf32>
    %dot_general3A_50 = arith.constant dense<0.000000e+00> : vector<256x128xf32>
    %dot_general3A_51 = tpu.matmul %add3A_44, %get3A_49, %dot_general3A_50 {dimension_numbers = #tpu.dot_dimension_numbers<[1], [1], [0], [0], [0, 0, 1, 0], [], []>, transpose_lhs_hint = false} : vector<256x1024xf32>, vector<128x1024xf32>, vector<256x128xf32> -> vector<256x128xf32>
    %iota3A = tpu.iota {dimensions = array<i32: 1>} : vector<256x128xi32>
    %lt3A = arith.constant 8 : i32
    %lt3A_52 = vector.broadcast %lt3A : i32 to vector<256x128xi32>
    %lt3A_53 = arith.cmpi slt, %iota3A, %lt3A_52 : vector<256x128xi32>
    %jit3A = arith.constant -1.000000e+30 : f32
    %broadcast_in_dim3A_54 = vector.broadcast %jit3A : f32 to vector<256x128xf32>
    %select_n3A = arith.select %lt3A_53, %dot_general3A_51, %broadcast_in_dim3A_54 : vector<256x128xi1>, vector<256x128xf32>
    %reduce_max3A = arith.constant dense<0xFF800000> : vector<256xf32>
    %reduce_max3A_55 = vector.multi_reduction <maximumf>, %select_n3A, %reduce_max3A [1] : vector<256x128xf32> to vector<256xf32>
    %broadcast_in_dim3A_56 = vector.shape_cast %reduce_max3A_55 : vector<256xf32> to vector<256x1xf32>
    %eq3A = vector.broadcast %broadcast_in_dim3A_56 : vector<256x1xf32> to vector<256x128xf32>
    %eq3A_57 = arith.cmpf oeq, %select_n3A, %eq3A : vector<256x128xf32>
    %jit3A_58 = arith.constant 128 : i32
    %broadcast_in_dim3A_59 = vector.broadcast %jit3A_58 : i32 to vector<256x128xi32>
    %select_n3A_60 = arith.select %eq3A_57, %iota3A, %broadcast_in_dim3A_59 : vector<256x128xi1>, vector<256x128xi32>
    %reduce_min3A = arith.constant dense<2147483647> : vector<256xi32>
    %reduce_min3A_61 = vector.multi_reduction <minsi>, %select_n3A_60, %reduce_min3A [1] : vector<256x128xi32> to vector<256xi32>
    %broadcast_in_dim3A_62 = vector.shape_cast %reduce_min3A_61 : vector<256xi32> to vector<256x1xi32>
    %eq3A_63 = vector.broadcast %broadcast_in_dim3A_62 : vector<256x1xi32> to vector<256x128xi32>
    %eq3A_64 = arith.cmpi eq, %iota3A, %eq3A_63 : vector<256x128xi32>
    %jit3A_65 = arith.constant -1.000000e+30 : f32
    %broadcast_in_dim3A_66 = vector.broadcast %jit3A_65 : f32 to vector<256x128xf32>
    %select_n3A_67 = arith.select %eq3A_64, %broadcast_in_dim3A_66, %select_n3A : vector<256x128xi1>, vector<256x128xf32>
    %reduce_max3A_68 = arith.constant dense<0xFF800000> : vector<256xf32>
    %reduce_max3A_69 = vector.multi_reduction <maximumf>, %select_n3A_67, %reduce_max3A_68 [1] : vector<256x128xf32> to vector<256xf32>
    %broadcast_in_dim3A_70 = vector.shape_cast %reduce_max3A_69 : vector<256xf32> to vector<256x1xf32>
    %eq3A_71 = vector.broadcast %broadcast_in_dim3A_70 : vector<256x1xf32> to vector<256x128xf32>
    %eq3A_72 = arith.cmpf oeq, %select_n3A_67, %eq3A_71 : vector<256x128xf32>
    %jit3A_73 = arith.constant 128 : i32
    %broadcast_in_dim3A_74 = vector.broadcast %jit3A_73 : i32 to vector<256x128xi32>
    %select_n3A_75 = arith.select %eq3A_72, %iota3A, %broadcast_in_dim3A_74 : vector<256x128xi1>, vector<256x128xi32>
    %reduce_min3A_76 = arith.constant dense<2147483647> : vector<256xi32>
    %reduce_min3A_77 = vector.multi_reduction <minsi>, %select_n3A_75, %reduce_min3A_76 [1] : vector<256x128xi32> to vector<256xi32>
    %broadcast_in_dim3A_78 = vector.shape_cast %reduce_min3A_77 : vector<256xi32> to vector<256x1xi32>
    %eq3A_79 = vector.broadcast %broadcast_in_dim3A_78 : vector<256x1xi32> to vector<256x128xi32>
    %eq3A_80 = arith.cmpi eq, %iota3A, %eq3A_79 : vector<256x128xi32>
    %jit3A_81 = arith.constant -1.000000e+30 : f32
    %broadcast_in_dim3A_82 = vector.broadcast %jit3A_81 : f32 to vector<256x128xf32>
    %select_n3A_83 = arith.select %eq3A_80, %broadcast_in_dim3A_82, %select_n3A_67 : vector<256x128xi1>, vector<256x128xf32>
    %reduce_max3A_84 = arith.constant dense<0xFF800000> : vector<256xf32>
    %reduce_max3A_85 = vector.multi_reduction <maximumf>, %select_n3A_83, %reduce_max3A_84 [1] : vector<256x128xf32> to vector<256xf32>
    %broadcast_in_dim3A_86 = vector.shape_cast %reduce_max3A_85 : vector<256xf32> to vector<256x1xf32>
    %eq3A_87 = vector.broadcast %broadcast_in_dim3A_86 : vector<256x1xf32> to vector<256x128xf32>
    %eq3A_88 = arith.cmpf oeq, %select_n3A_83, %eq3A_87 : vector<256x128xf32>
    %jit3A_89 = arith.constant 128 : i32
    %broadcast_in_dim3A_90 = vector.broadcast %jit3A_89 : i32 to vector<256x128xi32>
    %select_n3A_91 = arith.select %eq3A_88, %iota3A, %broadcast_in_dim3A_90 : vector<256x128xi1>, vector<256x128xi32>
    %reduce_min3A_92 = arith.constant dense<2147483647> : vector<256xi32>
    %reduce_min3A_93 = vector.multi_reduction <minsi>, %select_n3A_91, %reduce_min3A_92 [1] : vector<256x128xi32> to vector<256xi32>
    %broadcast_in_dim3A_94 = vector.shape_cast %reduce_min3A_93 : vector<256xi32> to vector<256x1xi32>
    %sub3A_95 = arith.subf %broadcast_in_dim3A_70, %broadcast_in_dim3A_56 : vector<256x1xf32>
    %exp3A = math.exp %sub3A_95 : vector<256x1xf32>
    %sub3A_96 = arith.subf %broadcast_in_dim3A_86, %broadcast_in_dim3A_56 : vector<256x1xf32>
    %exp3A_97 = math.exp %sub3A_96 : vector<256x1xf32>
    %sub3A_98 = arith.subf %broadcast_in_dim3A_70, %broadcast_in_dim3A_86 : vector<256x1xf32>
    %mul3A_99 = arith.constant 1.000000e+03 : f32
    %mul3A_100 = vector.broadcast %mul3A_99 : f32 to vector<256x1xf32>
    %mul3A_101 = arith.mulf %sub3A_98, %mul3A_100 : vector<256x1xf32>
    %add3A_102 = arith.constant 5.000000e-01 : f32
    %add3A_103 = vector.broadcast %add3A_102 : f32 to vector<256x1xf32>
    %add3A_104 = arith.addf %add3A_103, %mul3A_101 : vector<256x1xf32>
    %min3A = arith.constant 1.000000e+00 : f32
    %min3A_105 = vector.broadcast %min3A : f32 to vector<256x1xf32>
    %min3A_106 = arith.minimumf %add3A_104, %min3A_105 : vector<256x1xf32>
    %add3A_107 = arith.constant 1.000000e+00 : f32
    %add3A_108 = vector.broadcast %add3A_107 : f32 to vector<256x1xf32>
    %add3A_109 = arith.addf %add3A_108, %exp3A : vector<256x1xf32>
    %div3A_110 = arith.divf %min3A_106, %add3A_109 : vector<256x1xf32>
    %sub3A_111 = arith.constant 1.000000e+00 : f32
    %sub3A_112 = vector.broadcast %sub3A_111 : f32 to vector<256x1xf32>
    %sub3A_113 = arith.subf %sub3A_112, %min3A_106 : vector<256x1xf32>
    %add3A_114 = arith.constant 1.000000e+00 : f32
    %add3A_115 = vector.broadcast %add3A_114 : f32 to vector<256x1xf32>
    %add3A_116 = arith.addf %add3A_115, %exp3A_97 : vector<256x1xf32>
    %div3A_117 = arith.divf %sub3A_113, %add3A_116 : vector<256x1xf32>
    %add3A_118 = arith.addf %div3A_110, %div3A_117 : vector<256x1xf32>
    %mul3A_119 = arith.mulf %min3A_106, %exp3A : vector<256x1xf32>
    %add3A_120 = arith.constant 1.000000e+00 : f32
    %add3A_121 = vector.broadcast %add3A_120 : f32 to vector<256x1xf32>
    %add3A_122 = arith.addf %add3A_121, %exp3A : vector<256x1xf32>
    %div3A_123 = arith.divf %mul3A_119, %add3A_122 : vector<256x1xf32>
    %sub3A_124 = arith.constant 1.000000e+00 : f32
    %sub3A_125 = vector.broadcast %sub3A_124 : f32 to vector<256x1xf32>
    %sub3A_126 = arith.subf %sub3A_125, %min3A_106 : vector<256x1xf32>
    %mul3A_127 = arith.mulf %sub3A_126, %exp3A_97 : vector<256x1xf32>
    %add3A_128 = arith.constant 1.000000e+00 : f32
    %add3A_129 = vector.broadcast %add3A_128 : f32 to vector<256x1xf32>
    %add3A_130 = arith.addf %add3A_129, %exp3A_97 : vector<256x1xf32>
    %div3A_131 = arith.divf %mul3A_127, %add3A_130 : vector<256x1xf32>
    %sub3A_132 = vector.broadcast %broadcast_in_dim3A_56 : vector<256x1xf32> to vector<256x128xf32>
    %sub3A_133 = arith.subf %select_n3A, %sub3A_132 : vector<256x128xf32>
    %exp3A_134 = math.exp %sub3A_133 : vector<256x128xf32>
    %jit3A_135 = arith.constant 0.000000e+00 : f32
    %broadcast_in_dim3A_136 = vector.broadcast %jit3A_135 : f32 to vector<256x128xf32>
    %select_n3A_137 = arith.select %lt3A_53, %exp3A_134, %broadcast_in_dim3A_136 : vector<256x128xi1>, vector<256x128xf32>
    %reduce_sum3A_138 = arith.constant dense<0.000000e+00> : vector<256xf32>
    %reduce_sum3A_139 = vector.multi_reduction <add>, %select_n3A_137, %reduce_sum3A_138 [1] : vector<256x128xf32> to vector<256xf32>
    %broadcast_in_dim3A_140 = vector.shape_cast %reduce_sum3A_139 : vector<256xf32> to vector<256x1xf32>
    %div3A_141 = vector.broadcast %broadcast_in_dim3A_140 : vector<256x1xf32> to vector<256x128xf32>
    %div3A_142 = arith.divf %select_n3A_137, %div3A_141 : vector<256x128xf32>
    %eq3A_143 = arith.constant 0 : i32
    %eq3A_144 = vector.broadcast %eq3A_143 : i32 to vector<256x128xi32>
    %eq3A_145 = arith.cmpi eq, %iota3A, %eq3A_144 : vector<256x128xi32>
    %eq3A_146 = arith.constant 1 : i32
    %eq3A_147 = vector.broadcast %eq3A_146 : i32 to vector<256x128xi32>
    %eq3A_148 = arith.cmpi eq, %iota3A, %eq3A_147 : vector<256x128xi32>
    %eq3A_149 = arith.constant 2 : i32
    %eq3A_150 = vector.broadcast %eq3A_149 : i32 to vector<256x128xi32>
    %eq3A_151 = arith.cmpi eq, %iota3A, %eq3A_150 : vector<256x128xi32>
    %jit3A_152 = arith.constant 0 : i32
    %broadcast_in_dim3A_153 = vector.shape_cast %broadcast_in_dim3A_94 : vector<256x1xi32> to vector<256x1xi32>
    %broadcast_in_dim3A_154 = vector.broadcast %broadcast_in_dim3A_153 : vector<256x1xi32> to vector<256x128xi32>
    %broadcast_in_dim3A_155 = vector.broadcast %jit3A_152 : i32 to vector<256x128xi32>
    %select_n3A_156 = arith.select %eq3A_151, %broadcast_in_dim3A_154, %broadcast_in_dim3A_155 : vector<256x128xi1>, vector<256x128xi32>
    %broadcast_in_dim3A_157 = vector.shape_cast %broadcast_in_dim3A_78 : vector<256x1xi32> to vector<256x1xi32>
    %broadcast_in_dim3A_158 = vector.broadcast %broadcast_in_dim3A_157 : vector<256x1xi32> to vector<256x128xi32>
    %select_n3A_159 = arith.select %eq3A_148, %broadcast_in_dim3A_158, %select_n3A_156 : vector<256x128xi1>, vector<256x128xi32>
    %broadcast_in_dim3A_160 = vector.shape_cast %broadcast_in_dim3A_62 : vector<256x1xi32> to vector<256x1xi32>
    %broadcast_in_dim3A_161 = vector.broadcast %broadcast_in_dim3A_160 : vector<256x1xi32> to vector<256x128xi32>
    %select_n3A_162 = arith.select %eq3A_145, %broadcast_in_dim3A_161, %select_n3A_159 : vector<256x128xi1>, vector<256x128xi32>
    %swap3A_163 = arith.constant 0 : index
    %swap3A_164 = arith.constant 0 : index
    %swap3A_165 = vector.load %arg9[%swap3A_163, %swap3A_164] : memref<256x128xi32, #tpu.memory_space<vmem>>, vector<256x128xi32>
    tpu.vector_store %arg9[%swap3A_163, %swap3A_164], %select_n3A_162 {strides = array<i32>} : memref<256x128xi32, #tpu.memory_space<vmem>>, vector<256x128xi32>,
    %eq3A_166 = arith.constant 0 : i32
    %eq3A_167 = vector.broadcast %eq3A_166 : i32 to vector<256x128xi32>
    %eq3A_168 = arith.cmpi eq, %iota3A, %eq3A_167 : vector<256x128xi32>
    %eq3A_169 = arith.constant 1 : i32
    %eq3A_170 = vector.broadcast %eq3A_169 : i32 to vector<256x128xi32>
    %eq3A_171 = arith.cmpi eq, %iota3A, %eq3A_170 : vector<256x128xi32>
    %eq3A_172 = arith.constant 2 : i32
    %eq3A_173 = vector.broadcast %eq3A_172 : i32 to vector<256x128xi32>
    %eq3A_174 = arith.cmpi eq, %iota3A, %eq3A_173 : vector<256x128xi32>
    %jit3A_175 = arith.constant 0.000000e+00 : f32
    %broadcast_in_dim3A_176 = vector.shape_cast %div3A_131 : vector<256x1xf32> to vector<256x1xf32>
    %broadcast_in_dim3A_177 = vector.broadcast %broadcast_in_dim3A_176 : vector<256x1xf32> to vector<256x128xf32>
    %broadcast_in_dim3A_178 = vector.broadcast %jit3A_175 : f32 to vector<256x128xf32>
    %select_n3A_179 = arith.select %eq3A_174, %broadcast_in_dim3A_177, %broadcast_in_dim3A_178 : vector<256x128xi1>, vector<256x128xf32>
    %broadcast_in_dim3A_180 = vector.shape_cast %div3A_123 : vector<256x1xf32> to vector<256x1xf32>
    %broadcast_in_dim3A_181 = vector.broadcast %broadcast_in_dim3A_180 : vector<256x1xf32> to vector<256x128xf32>
    %select_n3A_182 = arith.select %eq3A_171, %broadcast_in_dim3A_181, %select_n3A_179 : vector<256x128xi1>, vector<256x128xf32>
    %broadcast_in_dim3A_183 = vector.shape_cast %add3A_118 : vector<256x1xf32> to vector<256x1xf32>
    %broadcast_in_dim3A_184 = vector.broadcast %broadcast_in_dim3A_183 : vector<256x1xf32> to vector<256x128xf32>
    %select_n3A_185 = arith.select %eq3A_168, %broadcast_in_dim3A_184, %select_n3A_182 : vector<256x128xi1>, vector<256x128xf32>
    %swap3A_186 = arith.constant 0 : index
    %swap3A_187 = arith.constant 0 : index
    %swap3A_188 = vector.load %arg10[%swap3A_186, %swap3A_187] : memref<256x128xf32, #tpu.memory_space<vmem>>, vector<256x128xf32>
    tpu.vector_store %arg10[%swap3A_186, %swap3A_187], %select_n3A_185 {strides = array<i32>} : memref<256x128xf32, #tpu.memory_space<vmem>>, vector<256x128xf32>,
    %eq3A_189 = vector.broadcast %broadcast_in_dim3A_62 : vector<256x1xi32> to vector<256x128xi32>
    %eq3A_190 = arith.cmpi eq, %iota3A, %eq3A_189 : vector<256x128xi32>
    %jit3A_191 = arith.constant 1.000000e+00 : f32
    %jit3A_192 = arith.constant 0.000000e+00 : f32
    %broadcast_in_dim3A_193 = vector.broadcast %jit3A_191 : f32 to vector<256x128xf32>
    %broadcast_in_dim3A_194 = vector.broadcast %jit3A_192 : f32 to vector<256x128xf32>
    %select_n3A_195 = arith.select %eq3A_190, %broadcast_in_dim3A_193, %broadcast_in_dim3A_194 : vector<256x128xi1>, vector<256x128xf32>
    %eq3A_196 = vector.broadcast %broadcast_in_dim3A_78 : vector<256x1xi32> to vector<256x128xi32>
    %eq3A_197 = arith.cmpi eq, %iota3A, %eq3A_196 : vector<256x128xi32>
    %jit3A_198 = arith.constant 0.000000e+00 : f32
    %broadcast_in_dim3A_199 = vector.shape_cast %min3A_106 : vector<256x1xf32> to vector<256x1xf32>
    %broadcast_in_dim3A_200 = vector.broadcast %broadcast_in_dim3A_199 : vector<256x1xf32> to vector<256x128xf32>
    %broadcast_in_dim3A_201 = vector.broadcast %jit3A_198 : f32 to vector<256x128xf32>
    %select_n3A_202 = arith.select %eq3A_197, %broadcast_in_dim3A_200, %broadcast_in_dim3A_201 : vector<256x128xi1>, vector<256x128xf32>
    %eq3A_203 = vector.broadcast %broadcast_in_dim3A_94 : vector<256x1xi32> to vector<256x128xi32>
    %eq3A_204 = arith.cmpi eq, %iota3A, %eq3A_203 : vector<256x128xi32>
    %sub3A_205 = arith.constant 1.000000e+00 : f32
    %sub3A_206 = vector.broadcast %sub3A_205 : f32 to vector<256x1xf32>
    %sub3A_207 = arith.subf %sub3A_206, %min3A_106 : vector<256x1xf32>
    %jit3A_208 = arith.constant 0.000000e+00 : f32
    %broadcast_in_dim3A_209 = vector.shape_cast %sub3A_207 : vector<256x1xf32> to vector<256x1xf32>
    %broadcast_in_dim3A_210 = vector.broadcast %broadcast_in_dim3A_209 : vector<256x1xf32> to vector<256x128xf32>
    %broadcast_in_dim3A_211 = vector.broadcast %jit3A_208 : f32 to vector<256x128xf32>
    %select_n3A_212 = arith.select %eq3A_204, %broadcast_in_dim3A_210, %broadcast_in_dim3A_211 : vector<256x128xi1>, vector<256x128xf32>
    %reduce_sum3A_213 = arith.constant dense<0.000000e+00> : vector<128xf32>
    %reduce_sum3A_214 = vector.multi_reduction <add>, %div3A_142, %reduce_sum3A_213 [0] : vector<256x128xf32> to vector<128xf32>
    %broadcast_in_dim3A_215 = vector.shape_cast %reduce_sum3A_214 : vector<128xf32> to vector<1x128xf32>
    %add3A_216 = arith.addf %select_n3A_195, %select_n3A_202 : vector<256x128xf32>
    %add3A_217 = arith.addf %add3A_216, %select_n3A_212 : vector<256x128xf32>
    %reduce_sum3A_218 = arith.constant dense<0.000000e+00> : vector<128xf32>
    %reduce_sum3A_219 = vector.multi_reduction <add>, %add3A_217, %reduce_sum3A_218 [0] : vector<256x128xf32> to vector<128xf32>
    %broadcast_in_dim3A_220 = vector.shape_cast %reduce_sum3A_219 : vector<128xf32> to vector<1x128xf32>
    %eq3A_221 = arith.constant 0 : i32
    %eq3A_222 = arith.cmpi eq, %arg0, %eq3A_221 : i32
    %convert_element_type3A = arith.extui %eq3A_222 : i1 to i32
    %cond3A = arith.constant 0 : i32
    %cond3A_223 = arith.cmpi ne, %convert_element_type3A, %cond3A : i32
    scf.if %cond3A_223 {
      %broadcast_in_dim3A_238 = arith.constant 0.000000e+00 : f32
      %broadcast_in_dim3A_239 = vector.broadcast %broadcast_in_dim3A_238 : f32 to vector<8x128xf32>
      %swap3A_240 = arith.constant 0 : index
      %swap3A_241 = arith.constant 0 : index
      %swap3A_242 = vector.load %arg11[%swap3A_240, %swap3A_241] : memref<8x128xf32, #tpu.memory_space<vmem>>, vector<8x128xf32>
      tpu.vector_store %arg11[%swap3A_240, %swap3A_241], %broadcast_in_dim3A_239 {strides = array<i32>} : memref<8x128xf32, #tpu.memory_space<vmem>>, vector<8x128xf32>,
    } else {
    }
    %get3A_224 = arith.constant 0 : index
    %get3A_225 = arith.constant 0 : index
    %get3A_226 = vector.load %arg11[%get3A_224, %get3A_225] : memref<8x128xf32, #tpu.memory_space<vmem>>, vector<1x128xf32>
    %add3A_227 = arith.addf %get3A_226, %broadcast_in_dim3A_215 : vector<1x128xf32>
    %swap3A_228 = arith.constant 0 : index
    %swap3A_229 = arith.constant 0 : index
    %swap3A_230 = vector.load %arg11[%swap3A_228, %swap3A_229] : memref<8x128xf32, #tpu.memory_space<vmem>>, vector<1x128xf32>
    tpu.vector_store %arg11[%swap3A_228, %swap3A_229], %add3A_227 {strides = array<i32>} : memref<8x128xf32, #tpu.memory_space<vmem>>, vector<1x128xf32>,
    %get3A_231 = arith.constant 1 : index
    %get3A_232 = arith.constant 0 : index
    %get3A_233 = vector.load %arg11[%get3A_231, %get3A_232] : memref<8x128xf32, #tpu.memory_space<vmem>>, vector<1x128xf32>
    %add3A_234 = arith.addf %get3A_233, %broadcast_in_dim3A_220 : vector<1x128xf32>
    %swap3A_235 = arith.constant 1 : index
    %swap3A_236 = arith.constant 0 : index
    %swap3A_237 = vector.load %arg11[%swap3A_235, %swap3A_236] : memref<8x128xf32, #tpu.memory_space<vmem>>, vector<1x128xf32>
    tpu.vector_store %arg11[%swap3A_235, %swap3A_236], %add3A_234 {strides = array<i32>} : memref<8x128xf32, #tpu.memory_space<vmem>>, vector<1x128xf32>,
    return
  }
  func.func @transform_0(%arg0: i32) -> (i32, i32) {
    %c0_i32 = arith.constant 0 : i32
    %c0_i32_0 = arith.constant 0 : i32
    return %arg0, %c0_i32 : i32, i32
  }
  func.func @transform_1(%arg0: i32) -> (i32, i32) {
    %c0_i32 = arith.constant 0 : i32
    %c0_i32_0 = arith.constant 0 : i32
    %c0_i32_1 = arith.constant 0 : i32
    return %c0_i32, %c0_i32_0 : i32, i32
  }
  func.func @transform_2(%arg0: i32) -> (i32, i32) {
    %c0_i32 = arith.constant 0 : i32
    %c0_i32_0 = arith.constant 0 : i32
    %c0_i32_1 = arith.constant 0 : i32
    return %c0_i32, %c0_i32_0 : i32, i32
  }
  func.func @transform_3(%arg0: i32) -> (i32, i32) {
    %c0_i32 = arith.constant 0 : i32
    %c0_i32_0 = arith.constant 0 : i32
    return %arg0, %c0_i32 : i32, i32
  }
  func.func @transform_4(%arg0: i32) -> (i32, i32) {
    %c0_i32 = arith.constant 0 : i32
    %c0_i32_0 = arith.constant 0 : i32
    %c0_i32_1 = arith.constant 0 : i32
    return %c0_i32, %c0_i32_0 : i32, i32
  }
  func.func @transform_5(%arg0: i32) -> (i32, i32) {
    %c0_i32 = arith.constant 0 : i32
    %c0_i32_0 = arith.constant 0 : i32
    %c0_i32_1 = arith.constant 0 : i32
    return %c0_i32, %c0_i32_0 : i32, i32
  }
  func.func @transform_6(%arg0: i32) -> (i32, i32) {
    %c0_i32 = arith.constant 0 : i32
    %c0_i32_0 = arith.constant 0 : i32
    %c0_i32_1 = arith.constant 0 : i32
    return %c0_i32, %c0_i32_0 : i32, i32
  }
  func.func @transform_7(%arg0: i32) -> (i32, i32) {
    %c0_i32 = arith.constant 0 : i32
    %c0_i32_0 = arith.constant 0 : i32
    return %arg0, %c0_i32 : i32, i32
  }
  func.func @transform_8(%arg0: i32) -> (i32, i32) {
    %c0_i32 = arith.constant 0 : i32
    %c0_i32_0 = arith.constant 0 : i32
    return %arg0, %c0_i32 : i32, i32
  }
  func.func @transform_9(%arg0: i32) -> (i32, i32) {
    %c0_i32 = arith.constant 0 : i32
    %c0_i32_0 = arith.constant 0 : i32
    return %arg0, %c0_i32 : i32, i32
  }
  func.func @transform_10(%arg0: i32) -> (i32, i32) {
    %c0_i32 = arith.constant 0 : i32
    %c0_i32_0 = arith.constant 0 : i32
    %c0_i32_1 = arith.constant 0 : i32
    return %c0_i32, %c0_i32_0 : i32, i32
  }
}

module attributes {stable_mosaic.version = 14 : i64} {
  func.func @_ffn_body(%arg0: i32, %arg1: i32, %arg2: memref<32xi32, #tpu.memory_space<smem>>, %arg3: memref<256x1024xf32, #tpu.memory_space<vmem>>, %arg4: memref<1x1024x1024xf32, #tpu.memory_space<vmem>>, %arg5: memref<1x1x1024xf32, #tpu.memory_space<vmem>>, %arg6: memref<1x1024x1024xf32, #tpu.memory_space<vmem>>, %arg7: memref<1x1x1024xf32, #tpu.memory_space<vmem>>, %arg8: memref<1x1x256xf32, #tpu.memory_space<vmem>>, %arg9: memref<256x1024xf32, #tpu.memory_space<vmem>>) attributes {dimension_semantics = [#tpu.dimension_semantics<arbitrary>, #tpu.dimension_semantics<arbitrary>], iteration_bounds = array<i64: 32, 4>, scalar_prefetch = 1 : i64, scratch_operands = 0 : i64, tpu.core_type = #tpu.core_type<tc>, window_params = [{transform_indices = @transform_0, window_bounds = array<i64: 256, 1024>}, {transform_indices = @transform_1, window_bounds = array<i64: 1, 1024, 1024>}, {transform_indices = @transform_2, window_bounds = array<i64: 1, 1, 1024>}, {transform_indices = @transform_3, window_bounds = array<i64: 1, 1024, 1024>}, {transform_indices = @transform_4, window_bounds = array<i64: 1, 1, 1024>}, {transform_indices = @transform_5, window_bounds = array<i64: 1, 1, 256>}, {transform_indices = @transform_6, window_bounds = array<i64: 256, 1024>}]} {
    %get3A = arith.constant 0 : index
    %get3A_0 = arith.constant 0 : index
    %get3A_1 = vector.load %arg3[%get3A, %get3A_0] : memref<256x1024xf32, #tpu.memory_space<vmem>>, vector<256x1024xf32>
    %get3A_2 = arith.constant 0 : index
    %get3A_3 = arith.constant 0 : index
    %get3A_4 = arith.constant 0 : index
    %get3A_5 = vector.load %arg4[%get3A_2, %get3A_3, %get3A_4] : memref<1x1024x1024xf32, #tpu.memory_space<vmem>>, vector<1x1024x1024xf32>
    %get3A_6 = vector.shape_cast %get3A_5 : vector<1x1024x1024xf32> to vector<1024x1024xf32>
    %dot_general3A = arith.constant dense<0.000000e+00> : vector<256x1024xf32>
    %dot_general3A_7 = tpu.matmul %get3A_1, %get3A_6, %dot_general3A {dimension_numbers = #tpu.dot_dimension_numbers<[1], [1], [0], [0], [0, 0, 1, 0], [], []>, transpose_lhs_hint = false} : vector<256x1024xf32>, vector<1024x1024xf32>, vector<256x1024xf32> -> vector<256x1024xf32>
    %get3A_8 = arith.constant 0 : index
    %get3A_9 = arith.constant 0 : index
    %get3A_10 = arith.constant 0 : index
    %get3A_11 = vector.load %arg5[%get3A_8, %get3A_9, %get3A_10] : memref<1x1x1024xf32, #tpu.memory_space<vmem>>, vector<1x1x1024xf32>
    %get3A_12 = vector.shape_cast %get3A_11 : vector<1x1x1024xf32> to vector<1024xf32>
    %broadcast_in_dim3A = vector.shape_cast %get3A_12 : vector<1024xf32> to vector<1x1024xf32>
    %add3A = vector.broadcast %broadcast_in_dim3A : vector<1x1024xf32> to vector<256x1024xf32>
    %add3A_13 = arith.addf %dot_general3A_7, %add3A : vector<256x1024xf32>
    %max3A = arith.constant 0.000000e+00 : f32
    %max3A_14 = vector.broadcast %max3A : f32 to vector<256x1024xf32>
    %max3A_15 = arith.maximumf %add3A_13, %max3A_14 : vector<256x1024xf32>
    %get3A_16 = arith.constant 0 : index
    %get3A_17 = arith.constant 0 : index
    %get3A_18 = arith.constant 0 : index
    %get3A_19 = vector.load %arg6[%get3A_16, %get3A_17, %get3A_18] : memref<1x1024x1024xf32, #tpu.memory_space<vmem>>, vector<1x1024x1024xf32>
    %get3A_20 = vector.shape_cast %get3A_19 : vector<1x1024x1024xf32> to vector<1024x1024xf32>
    %dot_general3A_21 = arith.constant dense<0.000000e+00> : vector<256x1024xf32>
    %dot_general3A_22 = tpu.matmul %max3A_15, %get3A_20, %dot_general3A_21 {dimension_numbers = #tpu.dot_dimension_numbers<[1], [1], [0], [0], [0, 0, 1, 0], [], []>, transpose_lhs_hint = false} : vector<256x1024xf32>, vector<1024x1024xf32>, vector<256x1024xf32> -> vector<256x1024xf32>
    %eq3A = arith.constant 0 : i32
    %eq3A_23 = arith.cmpi eq, %arg1, %eq3A : i32
    %convert_element_type3A = arith.extui %eq3A_23 : i1 to i32
    %cond3A = arith.constant 0 : i32
    %cond3A_24 = arith.cmpi ne, %convert_element_type3A, %cond3A : i32
    scf.if %cond3A_24 {
      %broadcast_in_dim3A_36 = arith.constant 0.000000e+00 : f32
      %broadcast_in_dim3A_37 = vector.broadcast %broadcast_in_dim3A_36 : f32 to vector<256x1024xf32>
      %swap3A_38 = arith.constant 0 : index
      %swap3A_39 = arith.constant 0 : index
      %swap3A_40 = vector.load %arg9[%swap3A_38, %swap3A_39] : memref<256x1024xf32, #tpu.memory_space<vmem>>, vector<256x1024xf32>
      tpu.vector_store %arg9[%swap3A_38, %swap3A_39], %broadcast_in_dim3A_37 {strides = array<i32>} : memref<256x1024xf32, #tpu.memory_space<vmem>>, vector<256x1024xf32>,
    } else {
    }
    %get3A_25 = arith.constant 0 : index
    %get3A_26 = arith.constant 0 : index
    %get3A_27 = vector.load %arg9[%get3A_25, %get3A_26] : memref<256x1024xf32, #tpu.memory_space<vmem>>, vector<256x1024xf32>
    %add3A_28 = arith.addf %get3A_27, %dot_general3A_22 : vector<256x1024xf32>
    %swap3A = arith.constant 0 : index
    %swap3A_29 = arith.constant 0 : index
    %swap3A_30 = vector.load %arg9[%swap3A, %swap3A_29] : memref<256x1024xf32, #tpu.memory_space<vmem>>, vector<256x1024xf32>
    tpu.vector_store %arg9[%swap3A, %swap3A_29], %add3A_28 {strides = array<i32>} : memref<256x1024xf32, #tpu.memory_space<vmem>>, vector<256x1024xf32>,
    %eq3A_31 = arith.constant 3 : i32
    %eq3A_32 = arith.cmpi eq, %arg1, %eq3A_31 : i32
    %convert_element_type3A_33 = arith.extui %eq3A_32 : i1 to i32
    %cond3A_34 = arith.constant 0 : i32
    %cond3A_35 = arith.cmpi ne, %convert_element_type3A_33, %cond3A_34 : i32
    scf.if %cond3A_35 {
      %get3A_36 = arith.constant 0 : index
      %get3A_37 = arith.constant 0 : index
      %get3A_38 = vector.load %arg9[%get3A_36, %get3A_37] : memref<256x1024xf32, #tpu.memory_space<vmem>>, vector<256x1024xf32>
      %get3A_39 = arith.constant 0 : index
      %get3A_40 = arith.constant 0 : index
      %get3A_41 = arith.constant 0 : index
      %get3A_42 = vector.load %arg7[%get3A_39, %get3A_40, %get3A_41] : memref<1x1x1024xf32, #tpu.memory_space<vmem>>, vector<1x1x1024xf32>
      %get3A_43 = vector.shape_cast %get3A_42 : vector<1x1x1024xf32> to vector<1024xf32>
      %broadcast_in_dim3A_44 = vector.shape_cast %get3A_43 : vector<1024xf32> to vector<1x1024xf32>
      %add3A_45 = vector.broadcast %broadcast_in_dim3A_44 : vector<1x1024xf32> to vector<256x1024xf32>
      %add3A_46 = arith.addf %get3A_38, %add3A_45 : vector<256x1024xf32>
      %get3A_47 = arith.constant 0 : index
      %get3A_48 = arith.constant 0 : index
      %get3A_49 = arith.constant 0 : index
      %get3A_50 = vector.load %arg8[%get3A_47, %get3A_48, %get3A_49] : memref<1x1x256xf32, #tpu.memory_space<vmem>>, vector<1x1x256xf32>
      %get3A_51 = vector.shape_cast %get3A_50 : vector<1x1x256xf32> to vector<256xf32>
      %broadcast_in_dim3A_52 = vector.shape_cast %get3A_51 : vector<256xf32> to vector<256x1xf32>
      %mul3A = vector.broadcast %broadcast_in_dim3A_52 : vector<256x1xf32> to vector<256x1024xf32>
      %mul3A_53 = arith.mulf %add3A_46, %mul3A : vector<256x1024xf32>
      %swap3A_54 = arith.constant 0 : index
      %swap3A_55 = arith.constant 0 : index
      %swap3A_56 = vector.load %arg9[%swap3A_54, %swap3A_55] : memref<256x1024xf32, #tpu.memory_space<vmem>>, vector<256x1024xf32>
      tpu.vector_store %arg9[%swap3A_54, %swap3A_55], %mul3A_53 {strides = array<i32>} : memref<256x1024xf32, #tpu.memory_space<vmem>>, vector<256x1024xf32>,
    } else {
    }
    return
  }
  func.func @transform_0(%arg0: i32, %arg1: i32, %arg2: memref<32xi32, #tpu.memory_space<smem>>) -> (i32, i32) {
    %c0_i32 = arith.constant 0 : i32
    %c0_i32_0 = arith.constant 0 : i32
    return %arg0, %c0_i32 : i32, i32
  }
  func.func @transform_1(%arg0: i32, %arg1: i32, %arg2: memref<32xi32, #tpu.memory_space<smem>>) -> (i32, i32, i32) {
    %get3A = arith.index_cast %arg0 : i32 to index
    %get3A_0 = memref.load %arg2[%get3A] : memref<32xi32, #tpu.memory_space<smem>>
    %c0_i32 = arith.constant 0 : i32
    %c0_i32_1 = arith.constant 0 : i32
    return %get3A_0, %arg1, %c0_i32 : i32, i32, i32
  }
  func.func @transform_2(%arg0: i32, %arg1: i32, %arg2: memref<32xi32, #tpu.memory_space<smem>>) -> (i32, i32, i32) {
    %get3A = arith.index_cast %arg0 : i32 to index
    %get3A_0 = memref.load %arg2[%get3A] : memref<32xi32, #tpu.memory_space<smem>>
    %c0_i32 = arith.constant 0 : i32
    %c0_i32_1 = arith.constant 0 : i32
    return %get3A_0, %c0_i32, %arg1 : i32, i32, i32
  }
  func.func @transform_3(%arg0: i32, %arg1: i32, %arg2: memref<32xi32, #tpu.memory_space<smem>>) -> (i32, i32, i32) {
    %get3A = arith.index_cast %arg0 : i32 to index
    %get3A_0 = memref.load %arg2[%get3A] : memref<32xi32, #tpu.memory_space<smem>>
    %c0_i32 = arith.constant 0 : i32
    %c0_i32_1 = arith.constant 0 : i32
    return %get3A_0, %c0_i32, %arg1 : i32, i32, i32
  }
  func.func @transform_4(%arg0: i32, %arg1: i32, %arg2: memref<32xi32, #tpu.memory_space<smem>>) -> (i32, i32, i32) {
    %get3A = arith.index_cast %arg0 : i32 to index
    %get3A_0 = memref.load %arg2[%get3A] : memref<32xi32, #tpu.memory_space<smem>>
    %c0_i32 = arith.constant 0 : i32
    %c0_i32_1 = arith.constant 0 : i32
    %c0_i32_2 = arith.constant 0 : i32
    return %get3A_0, %c0_i32, %c0_i32_1 : i32, i32, i32
  }
  func.func @transform_5(%arg0: i32, %arg1: i32, %arg2: memref<32xi32, #tpu.memory_space<smem>>) -> (i32, i32, i32) {
    %c0_i32 = arith.constant 0 : i32
    %c0_i32_0 = arith.constant 0 : i32
    %c0_i32_1 = arith.constant 0 : i32
    return %arg0, %c0_i32, %c0_i32_0 : i32, i32, i32
  }
  func.func @transform_6(%arg0: i32, %arg1: i32, %arg2: memref<32xi32, #tpu.memory_space<smem>>) -> (i32, i32) {
    %c0_i32 = arith.constant 0 : i32
    %c0_i32_0 = arith.constant 0 : i32
    return %arg0, %c0_i32 : i32, i32
  }
}

module attributes {stable_mosaic.version = 14 : i64} {
  func.func @_combine_body(%arg0: i32, %arg1: memref<256x1024xf32, #tpu.memory_space<vmem>>, %arg2: memref<256x3x1024xf32, #tpu.memory_space<vmem>>, %arg3: memref<1x1024xf32, #tpu.memory_space<vmem>>, %arg4: memref<1x1024xf32, #tpu.memory_space<vmem>>, %arg5: memref<256x1024xf32, #tpu.memory_space<vmem>>) attributes {dimension_semantics = [#tpu.dimension_semantics<arbitrary>], iteration_bounds = array<i64: 8>, scalar_prefetch = 0 : i64, scratch_operands = 0 : i64, tpu.core_type = #tpu.core_type<tc>, window_params = [{transform_indices = @transform_0, window_bounds = array<i64: 256, 1024>}, {transform_indices = @transform_1, window_bounds = array<i64: 256, 3, 1024>}, {pipeline_mode = #tpu.pipeline_mode<synchronous>, transform_indices = @transform_2, window_bounds = array<i64: 1, 1024>}, {pipeline_mode = #tpu.pipeline_mode<synchronous>, transform_indices = @transform_3, window_bounds = array<i64: 1, 1024>}, {transform_indices = @transform_4, window_bounds = array<i64: 256, 1024>}]} {
    %get3A = arith.constant 0 : index
    %get3A_0 = arith.constant 0 : index
    %get3A_1 = vector.load %arg1[%get3A, %get3A_0] : memref<256x1024xf32, #tpu.memory_space<vmem>>, vector<256x1024xf32>
    %get3A_2 = arith.constant 0 : index
    %get3A_3 = arith.constant 0 : index
    %get3A_4 = arith.constant 0 : index
    %get3A_5 = vector.load %arg2[%get3A_2, %get3A_3, %get3A_4] : memref<256x3x1024xf32, #tpu.memory_space<vmem>>, vector<256x1x1024xf32>
    %get3A_6 = vector.shape_cast %get3A_5 : vector<256x1x1024xf32> to vector<256x1024xf32>
    %get3A_7 = arith.constant 0 : index
    %get3A_8 = arith.constant 1 : index
    %get3A_9 = arith.constant 0 : index
    %get3A_10 = vector.load %arg2[%get3A_7, %get3A_8, %get3A_9] : memref<256x3x1024xf32, #tpu.memory_space<vmem>>, vector<256x1x1024xf32>
    %get3A_11 = vector.shape_cast %get3A_10 : vector<256x1x1024xf32> to vector<256x1024xf32>
    %add3A = arith.addf %get3A_6, %get3A_11 : vector<256x1024xf32>
    %get3A_12 = arith.constant 0 : index
    %get3A_13 = arith.constant 2 : index
    %get3A_14 = arith.constant 0 : index
    %get3A_15 = vector.load %arg2[%get3A_12, %get3A_13, %get3A_14] : memref<256x3x1024xf32, #tpu.memory_space<vmem>>, vector<256x1x1024xf32>
    %get3A_16 = vector.shape_cast %get3A_15 : vector<256x1x1024xf32> to vector<256x1024xf32>
    %add3A_17 = arith.addf %add3A, %get3A_16 : vector<256x1024xf32>
    %add3A_18 = arith.addf %get3A_1, %add3A_17 : vector<256x1024xf32>
    %reduce_sum3A = arith.constant dense<0.000000e+00> : vector<256xf32>
    %reduce_sum3A_19 = vector.multi_reduction <add>, %add3A_18, %reduce_sum3A [1] : vector<256x1024xf32> to vector<256xf32>
    %broadcast_in_dim3A = vector.shape_cast %reduce_sum3A_19 : vector<256xf32> to vector<256x1xf32>
    %div3A = arith.constant 1.024000e+03 : f32
    %div3A_20 = vector.broadcast %div3A : f32 to vector<256x1xf32>
    %div3A_21 = arith.divf %broadcast_in_dim3A, %div3A_20 : vector<256x1xf32>
    %sub3A = vector.broadcast %div3A_21 : vector<256x1xf32> to vector<256x1024xf32>
    %sub3A_22 = arith.subf %add3A_18, %sub3A : vector<256x1024xf32>
    %mul3A = arith.mulf %sub3A_22, %sub3A_22 : vector<256x1024xf32>
    %reduce_sum3A_23 = arith.constant dense<0.000000e+00> : vector<256xf32>
    %reduce_sum3A_24 = vector.multi_reduction <add>, %mul3A, %reduce_sum3A_23 [1] : vector<256x1024xf32> to vector<256xf32>
    %broadcast_in_dim3A_25 = vector.shape_cast %reduce_sum3A_24 : vector<256xf32> to vector<256x1xf32>
    %div3A_26 = arith.constant 1.024000e+03 : f32
    %div3A_27 = vector.broadcast %div3A_26 : f32 to vector<256x1xf32>
    %div3A_28 = arith.divf %broadcast_in_dim3A_25, %div3A_27 : vector<256x1xf32>
    %add3A_29 = arith.constant 9.99999974E-6 : f32
    %add3A_30 = vector.broadcast %add3A_29 : f32 to vector<256x1xf32>
    %add3A_31 = arith.addf %div3A_28, %add3A_30 : vector<256x1xf32>
    %sqrt3A = math.sqrt %add3A_31 : vector<256x1xf32>
    %div3A_32 = vector.broadcast %sqrt3A : vector<256x1xf32> to vector<256x1024xf32>
    %div3A_33 = arith.divf %sub3A_22, %div3A_32 : vector<256x1024xf32>
    %get3A_34 = arith.constant 0 : index
    %get3A_35 = arith.constant 0 : index
    %get3A_36 = vector.load %arg3[%get3A_34, %get3A_35] : memref<1x1024xf32, #tpu.memory_space<vmem>>, vector<1x1024xf32>
    %get3A_37 = vector.shape_cast %get3A_36 : vector<1x1024xf32> to vector<1024xf32>
    %broadcast_in_dim3A_38 = vector.shape_cast %get3A_37 : vector<1024xf32> to vector<1x1024xf32>
    %mul3A_39 = vector.broadcast %broadcast_in_dim3A_38 : vector<1x1024xf32> to vector<256x1024xf32>
    %mul3A_40 = arith.mulf %div3A_33, %mul3A_39 : vector<256x1024xf32>
    %get3A_41 = arith.constant 0 : index
    %get3A_42 = arith.constant 0 : index
    %get3A_43 = vector.load %arg4[%get3A_41, %get3A_42] : memref<1x1024xf32, #tpu.memory_space<vmem>>, vector<1x1024xf32>
    %get3A_44 = vector.shape_cast %get3A_43 : vector<1x1024xf32> to vector<1024xf32>
    %broadcast_in_dim3A_45 = vector.shape_cast %get3A_44 : vector<1024xf32> to vector<1x1024xf32>
    %add3A_46 = vector.broadcast %broadcast_in_dim3A_45 : vector<1x1024xf32> to vector<256x1024xf32>
    %add3A_47 = arith.addf %mul3A_40, %add3A_46 : vector<256x1024xf32>
    %swap3A = arith.constant 0 : index
    %swap3A_48 = arith.constant 0 : index
    %swap3A_49 = vector.load %arg5[%swap3A, %swap3A_48] : memref<256x1024xf32, #tpu.memory_space<vmem>>, vector<256x1024xf32>
    tpu.vector_store %arg5[%swap3A, %swap3A_48], %add3A_47 {strides = array<i32>} : memref<256x1024xf32, #tpu.memory_space<vmem>>, vector<256x1024xf32>,
    return
  }
  func.func @transform_0(%arg0: i32) -> (i32, i32) {
    %c0_i32 = arith.constant 0 : i32
    %c0_i32_0 = arith.constant 0 : i32
    return %arg0, %c0_i32 : i32, i32
  }
  func.func @transform_1(%arg0: i32) -> (i32, i32, i32) {
    %c0_i32 = arith.constant 0 : i32
    %c0_i32_0 = arith.constant 0 : i32
    %c0_i32_1 = arith.constant 0 : i32
    return %arg0, %c0_i32, %c0_i32_0 : i32, i32, i32
  }
  func.func @transform_2(%arg0: i32) -> (i32, i32) {
    %c0_i32 = arith.constant 0 : i32
    %c0_i32_0 = arith.constant 0 : i32
    %c0_i32_1 = arith.constant 0 : i32
    return %c0_i32, %c0_i32_0 : i32, i32
  }
  func.func @transform_3(%arg0: i32) -> (i32, i32) {
    %c0_i32 = arith.constant 0 : i32
    %c0_i32_0 = arith.constant 0 : i32
    %c0_i32_1 = arith.constant 0 : i32
    return %c0_i32, %c0_i32_0 : i32, i32
  }
  func.func @transform_4(%arg0: i32) -> (i32, i32) {
    %c0_i32 = arith.constant 0 : i32
    %c0_i32_0 = arith.constant 0 : i32
    return %arg0, %c0_i32 : i32, i32
  }
}

</mosaic_0001>

<sc_bundles>
// kernel: kernel.12.cloned.1.call-start
scs
__scs_entry_jumppad:
0x0: {  	(pc) =	sbr.rel $0x88, $3  }
0x1: {  	(tag) =	ssettag $0x0;
	lr =	simm.s32 $0x1  }
0x2: {  	[smem:$0x3F93] =	sst lr;
	_ =	strace $0xD0000000  }
0x3: {  	_ = 	snop  }
0x4: {  	_ = 	snop  }
0x5: {  	_ = 	snop  }
0x6: {  	_ = 	snop  }
0x7: {  	_ = 	snop  }
__scs_overlays_trampoline_lowered:
0x8: {  	[smem:$0x3FA2] =	sst s0  }
0x9: {  	[smem:$0x3FA3] =	sst s1  }
0xa: {  	[smem:$0x3FA4] =	sst s2  }
0xb: {  	[smem:$0x3FA5] =	sst s3  }
0xc: {  	[smem:$0x3FA6] =	sst s4  }
0xd: {  	[smem:$0x3FA7] =	sst s5  }
0xe: {  	[smem:$0x3FA8] =	sst s6  }
0xf: {  	[smem:$0x3FA9] =	sst s7  }
0x10: {  	[smem:$0x3FAA] =	sst s8  }
0x11: {  	[smem:$0x3FAB] =	sst s9;
	s0 =	simm.s32 @!p0 $0x0  }
0x12: {  	s1 =	sld [smem:$0x3F91];
	s0 =	simm.s32 @p0 $0x1  }
0x13: {  	[smem:$0x3FAC] =	sst s0;
	s0 =	simm.s32 @!p1 $0x0  }
0x14: {  	s2 =	sld [smem:$0x3F90];
	s0 =	simm.s32 @p1 $0x1  }
0x15: {  	[smem:$0x3FAD] =	sst s0;
	s0 =	simm.s32 @!p2 $0x0  }
0x16: {  	s3 =	sld [smem:$0x3FDB];
	s0 =	simm.s32 @p2 $0x1  }
0x17: {  	s4 =	simm.s32 $0x1BF5;
	[smem:$0x3FAF] =	sst s0  }
0x18: {  	s0 =	sld [smem:$0x3F92];
	_ =	swait.ge [sflag:s4], $0x0  }
0x19: {  	s7 =	sld [smem:$0x3F93]  }
0x1a: {  	s8 =	sadd.s32 $0xFFFFE003, lr  }
0x1b: {  	s9 =	sadd.s32 $0xFFFFFEF7, lr;
	s5 =	simm.s32 $0xFFFFFFFF;
	p2 =	slt.u32 s8, $0xFFFFF086  }
0x1c: {  	p1 =	slt.u32 s9, $0xF7A;
	s5 =	simm.s32 @!p2 $0x0  }
0x1d: {  	s5 =	simm.s32 @p1 $0x1;
	p0 =	seq.s32 s7, s2  }
0x1e: {  	s7 =	smul.u32 @!p0 $0xF7A, s2;
	p2 =	seq.s32 @!p0 s5, $0x0  }
0x1f: {  	s9 =	smul.u32 $0xF7A, s1;
	s8 =	simm.s32 @!p0 $0x1BF5;
	p2 =	por !p2, p0  }
0x20: {  	[sflag:s8] =	ssyncset.s32 @!p0 $0xFFFFF086;
	s6 =	sadd.s32 @!p0 s3, s7;
	s7 =	simm.s32 @!p0 $0x108  }
0x21: {  	s3 =	sadd.s32 s3, s9;
	s6 =	sadd.s32 @!p0 $0x88, s6;
	s7 =	simm.s32 @p2 $0x1082  }
0x22: {  	[simem:s7], [sflag:s8] =	dma.local @!p0 [hbm:s6], $0xF7A  }
0x23: {  	s9 =	sor.u32 $0xD0000000, s2;
	s6 =	simm.s32 $0x108;
	_ =	swait.ge @!p0 [sflag:s8], $0x0  }
0x24: {  	s3 =	sadd.s32 $0x88, s3;
	s6 =	simm.s32 @!p1 $0x1082;
	[sflag:s4] =	ssyncset.s32 $0xFFFFF086  }
0x25: {  	[simem:s6], [sflag:s4] =	dma.local [hbm:s3], $0xF7A  }
0x26: {  	[smem:$0x3F93] =	sst s1;
	(tag) =	ssettag s2;
	_ =	strace s9  }
0x27: {  	s1 =	sld [smem:$0x3FA3]  }
0x28: {  	s2 =	sld [smem:$0x3FA4]  }
0x29: {  	s4 =	sld [smem:$0x3FA6]  }
0x2a: {  	p0 =	seq.s32 s5, $0x0;
	s5 =	sld [smem:$0x3FA7]  }
0x2b: {  	s6 =	sld [smem:$0x3FA8]  }
0x2c: {  	s7 =	sld [smem:$0x3FA9]  }
0x2d: {  	s3 =	simm.s32 $0x108;
	s8 =	sld [smem:$0x3FAA]  }
0x2e: {  	s3 =	simm.s32 @!p0 $0x1082;
	s9 =	sld [smem:$0x3FAB]  }
0x2f: {  	lr =	sadd.s32 s0, s3;
	s0 =	sld [smem:$0x3FA2]  }
0x30: {  	s3 =	sld [smem:$0x3FA5]  }
0x31: {  	[smem:$0x3FAE] =	sst s10  }
0x32: {  	s10 =	sld [smem:$0x3FAC];
	_ =	sdelay $0x3  }
0x33: {  	p0 =	seq.s32 s10, $0x1;
	s10 =	sld [smem:$0x3FAE];
	_ =	sdelay $0x3  }
0x34: {  	[smem:$0x3FAE] =	sst s10  }
0x35: {  	s10 =	sld [smem:$0x3FAD];
	_ =	sdelay $0x3  }
0x36: {  	p1 =	seq.s32 s10, $0x1;
	s10 =	sld [smem:$0x3FAE];
	_ =	sdelay $0x3  }
0x37: {  	[smem:$0x3FAE] =	sst s10  }
0x38: {  	s10 =	sld [smem:$0x3FAF]  }
0x39: {  	_ = 	snop;
	(pc) =	sbr.ind lr, $3  }
0x3a: {  	_ = 	snop  }
0x3b: {  	_ = 	snop  }
0x3c: {  	p2 =	seq.s32 s10, $0x1;
	s10 =	sld [smem:$0x3FAE]  }
0x3d: {  	_ =	shalt  }
0x3e: {  	_ =	shalt  }
0x3f: {  	_ =	shalt  }
0x40: {  	_ =	shalt  }
0x41: {  	_ =	shalt  }
0x42: {  	_ =	shalt  }
0x43: {  	_ =	shalt  }
0x44: {  	_ =	shalt  }
0x45: {  	_ =	shalt  }
0x46: {  	_ =	shalt  }
0x47: {  	_ =	shalt  }
0x48: {  	_ =	shalt  }
0x49: {  	_ =	shalt  }
0x4a: {  	_ =	shalt  }
0x4b: {  	_ =	shalt  }
0x4c: {  	_ =	shalt  }
0x4d: {  	_ =	shalt  }
0x4e: {  	_ =	shalt  }
0x4f: {  	_ =	shalt  }
0x50: {  	_ =	shalt  }
0x51: {  	_ =	shalt  }
0x52: {  	_ =	shalt  }
0x53: {  	_ =	shalt  }
0x54: {  	_ =	shalt  }
0x55: {  	_ =	shalt  }
0x56: {  	_ =	shalt  }
0x57: {  	_ =	shalt  }
0x58: {  	_ =	shalt  }
0x59: {  	_ =	shalt  }
0x5a: {  	_ =	shalt  }
0x5b: {  	_ =	shalt  }
0x5c: {  	_ =	shalt  }
0x5d: {  	_ =	shalt  }
0x5e: {  	_ =	shalt  }
0x5f: {  	_ =	shalt  }
0x60: {  	_ =	shalt  }
0x61: {  	_ =	shalt  }
0x62: {  	_ =	shalt  }
0x63: {  	_ =	shalt  }
0x64: {  	_ =	shalt  }
0x65: {  	_ =	shalt  }
0x66: {  	_ =	shalt  }
0x67: {  	_ =	shalt  }
0x68: {  	_ =	shalt  }
0x69: {  	_ =	shalt  }
0x6a: {  	_ =	shalt  }
0x6b: {  	_ =	shalt  }
0x6c: {  	_ =	shalt  }
0x6d: {  	_ =	shalt  }
0x6e: {  	_ =	shalt  }
0x6f: {  	_ =	shalt  }
0x70: {  	_ =	shalt  }
0x71: {  	_ =	shalt  }
0x72: {  	_ =	shalt  }
0x73: {  	_ =	shalt  }
0x74: {  	_ =	shalt  }
0x75: {  	_ =	shalt  }
0x76: {  	_ =	shalt  }
0x77: {  	_ =	shalt  }
0x78: {  	_ =	shalt  }
0x79: {  	_ =	shalt  }
0x7a: {  	_ =	shalt  }
0x7b: {  	_ =	shalt  }
0x7c: {  	_ =	shalt  }
0x7d: {  	_ =	shalt  }
0x7e: {  	_ =	shalt  }
0x7f: {  	_ =	shalt  }
0x80: {  	_ =	shalt  }
0x81: {  	_ =	shalt  }
0x82: {  	_ =	shalt  }
0x83: {  	_ =	shalt  }
0x84: {  	_ =	shalt  }
0x85: {  	_ =	shalt  }
0x86: {  	_ =	shalt  }
0x87: {  	_ =	shalt  }
.Lfunc_end0:
.L_simem_size_0:
called_computation.1_lowered:
.L_overlay_start_0:
0x88: {  	s2 =	sld [smem:$0x3FD9]  }
0x89: {  	s3 =	sld [smem:$0x3FFE];
	_ =	sdelay $0x1  }
0x8a: {  	s1 =	srdreg.scid  }
0x8b: {  	s0 =	sand.u32 $0x1, s1  }
0x8c: {  	s16 =	sshll.u32 s0, $0xA;
	s2 =	sadd.s32 s3, s2  }
0x8d: {  	s2 =	sadd.s32 s2, s16  }
0x8e: {  	[smem:$0x3FBA] =	sst s2  }
0x8f: {  	_ = 	snop  }
0x90: {  	(tm) =	ssettm $0x1  }
0x91: {  	s17 =	sld [smem:$0x3FFB];
	_ =	sdelay $0x3  }
0x92: {  	_ =	strace s17  }
0x93: {  	s2 =	sld [smem:$0x3FFC];
	_ =	sdelay $0x3  }
0x94: {  	_ =	strace s2  }
0x95: {  	s2 =	sld [smem:$0x3FFD];
	_ =	sdelay $0x3  }
0x96: {  	_ =	strace s2  }
0x97: {  	_ =	strace $0x8FFFFFFF  }
0x98: {  	s18 =	sld [smem:$0x3FDB];
	_ =	sdelay $0x1  }
0x99: {  	s19 =	simm.s32 $_scs_section_size  }
0x9a: {  	s4 =	simm.s32 $_size__tile_overlayer_lowered;
	s5 =	simm.s32 $_tile_overlayer_lowered  }
0x9b: {  	s22 =	simm.s32 $0x1BFF;
	s21 =	sshll.u32 s5, $0x1;
	s2 =	sadd.s32 s19, s18  }
0x9c: {  	s6 =	simm.s32 $0x0;
	s20 =	sshll.u32 s4, $0x1;
	s4 =	sadd.s32 s21, s2  }
0x9d: {  	[timem:s6], [sflag:s22] =	dma.local [hbm:s4], s20  }
0x9e: {  	_ =	swait.ge [sflag:s22], s20  }
0x9f: {  	s3 =	ssub.s32 $0x0, s20;
	[sflag:s22] =	ssyncset.done $0x0  }
0xa0: {  	[sflag:s22] =	ssyncadd.s32 s3;
	_ =	sdelay $0x1  }
0xa1: {  	s23 =	simm.s32 $0x1B8B  }
0xa2: {  	_ =	swait.ge [sflag:s23], $0x1  }
0xa3: {  	[sflag:s23] =	ssyncset.done $0x0  }
0xa4: {  	s25 =	simm.s32 $0x1B8E;
	s24 =	sld [smem:$0x3FFE];
	[sflag:s23] =	ssyncadd.s32 $0xFFFFFFFF  }
0xa5: {  	s26 =	simm.s32 $execute0_lowered;
	[smem:$0x3FD2] =	sst s25  }
0xa6: {  	s4 =	sshll.u32 s26, $0x1;
	_ =	strace $0x80000049;
	[dreg:$0x1] =	wrdreg $0xFFFFFFFF  }
0xa7: {  	s28 =	simm.s32 $_size_execute0_lowered;
	s2 =	sadd.s32 s2, s4;
	[dreg:$0x0] =	wrdreg $0x0  }
0xa8: {  	s4 =	sshll.u32 s28, $0x1;
	[dreg:$0x2] =	wrdreg s2  }
0xa9: {  	[dreg:$0x3] =	wrdreg s4  }
0xaa: {  	[dreg:$0x4] =	wrdreg $0xC0  }
0xab: {  	_ =	task [dreg:s6], $0x5FFFF  }
0xac: {  	[dreg:$0x1] =	wrdreg $0xFFFFFFFF  }
0xad: {  	[dreg:$0x0] =	wrdreg $0x60  }
0xae: {  	[dreg:$0x2] =	wrdreg s24  }
0xaf: {  	[dreg:$0x3] =	wrdreg $0x9  }
0xb0: {  	_ =	task.clear_ibuf [dreg:s6], $0x4FFFF;
	_ =	strace $0x90000049  }
0xb1: {  	s29 =	simm.s32 $0x9;
	_ =	strace $0x8000004B  }
0xb2: {  	_ =	swait.ge [sflag:s29], $0x1  }
0xb3: {  	[sflag:s29] =	ssyncadd.s32 $0xFFFFFFFF  }
0xb4: {  	_ =	strace $0x9000004B  }
0xb5: {  	_ =	sfence  }
0xb6: {  	s30 =	sld [smem:$0x0];
	_ =	sdelay $0x2  }
0xb7: {  	s31 =	sshll.u32 s1, $0xD;
	s1 =	sshrl.u32 s1, $0x2  }
0xb8: {  	s3 =	sand.u32 $0x4000, s31;
	s1 =	sadd.s32 s1, s30  }
0xb9: {  	s0 =	sor.u32 s3, s0;
	s1 =	sshll.u32 s1, $0x11  }
0xba: {  	s0 =	sor.u32 s1, s0  }
0xbb: {  	s0 =	sadd.s32 $0x8F2B, s0  }
0xbc: {  	[sflag:s0] =	ssyncadd.remote.s32 $0x1  }
0xbd: {  	_ =	sfence.sel $0xFFFF  }
0xbe: {  	[dreg:$0x0] =	wrdreg $0xFFFFFFFF;
	(pc) =	sbr.abs _section_cstart, $3  }
0xbf: {  	[dreg:$0x1] =	wrdreg $0xFFFFFFFF  }
0xc0: {  	_ =	task.clear_ibuf [dreg:s6], $0x2FFFF;
	_ =	strace $0x9FFFFFFF  }
0xc1: {  	(tm) =	ssettm $0x7FFFFFFF  }
tec
execute0_lowered:
.L_overlay_start_1:
0x0: {  	(tag) =	ssettag $0x1  }
0x1: {  	s0 =	rddreg [dreg:$0x0]  }
0x2: {  	s1 =	srdreg.scid;
	s3 =	stileid.u32;
	s2 =	simm.s32 $0x0  }
0x3: {  	s12 =	simm.s32 $0x880;
	s13 =	simm.s32 $0x1080;
	s14 =	simm.s32 $0x1880  }
0x4: {  	s15 =	simm.s32 $0x2080;
	s16 =	simm.s32 $0x2880;
	s17 =	simm.s32 $0x3080  }
0x5: {  	s18 =	simm.s32 $0x3880;
	s28 =	simm.s32 $0x8080;
	s29 =	simm.s32 $0x8880  }
0x6: {  	s30 =	simm.s32 $0x9080;
	s31 =	simm.s32 $0x9880;
	s1 =	sand.u32 $0x1, s1  }
0x7: {  	s3 =	sshll.u32 s3, $0x1;
	[smem:$0x7FF] =	sst s2;
	s6 =	sadd.s32 $0x200, s0  }
0x8: {  	s7 =	sadd.s32 $0x600, s0;
	s4 =	sor.u32 s1, s3;
	s1 =	ssub.s32 $0x2, s1  }
0x9: {  	_ =	strace $0x8000004A;
	s5 =	smul.u32 $0xC0, s4;
	s9 =	sshrl.u32 s1, $0x1  }
0xa: {  	s3 =	sadd.s32 $0x100A00, s0;
	s4 =	smul.u32 $0x6000, s4;
	s1 =	ssub.s32 s1, s9  }
0xb: {  	s9 =	simm.s32 $0x80;
	s8 =	sshrl.u32 s5, $0x3;
	s10 =	sor.u32 $0x30, s5  }
0xc: {  	s4 =	sadd.s32 s7, s4;
	s23 =	sadd.s32 $0x60, s5;
	s5 =	sadd.s32 $0x90, s5  }
0xd: {  	s8 =	sadd.s32 s6, s8;
	s19 =	sshrl.u32 s10, $0x3;
	[dreg:$0x3] =	wrdreg s4  }
0xe: {  	s21 =	sshll.u32 s10, $0x7;
	s24 =	sshrl.u32 s23, $0x3;
	s26 =	sshrl.u32 s5, $0x3  }
0xf: {  	s5 =	sshll.u32 s5, $0x7;
	s10 =	simm.s32 $0x1;
	[dreg:$0x2] =	wrdreg s8  }
0x10: {  	s20 =	sadd.s32 s6, s19;
	s22 =	sadd.s32 s7, s21;
	s4 =	sadd.s32 s6, s24  }
0x11: {  	s8 =	sshll.u32 s23, $0x7;
	s6 =	sadd.s32 s6, s26;
	s19 =	simm.s32 $0x4080  }
0x12: {  	s21 =	simm.s32 $0x5080;
	s23 =	simm.s32 $0x6080;
	[dreg:$0x4] =	wrdreg s20  }
0x13: {  	s24 =	simm.s32 $0x6880;
	s26 =	simm.s32 $0x7880;
	[dreg:$0x5] =	wrdreg s22  }
0x14: {  	[dreg:$0x6] =	wrdreg s4;
	s25 =	sadd.s32 s7, s8;
	s4 =	sadd.s32 $0x100B00, s0  }
0x15: {  	[dreg:$0x8] =	wrdreg s6;
	s7 =	sadd.s32 s7, s5;
	s5 =	sadd.s32 $0x100C00, s0  }
0x16: {  	v2 =	vlaneseq.u32;
	s6 =	sadd.s32 $0x100D00, s0;
	s8 =	simm.s32 $0x2;
	[dreg:$0x7] =	wrdreg s25  }
0x17: {  	vm0 =	vmmov $0xffff;
	v1 =	vshrl.u32 v2, $0x3;
	s20 =	simm.s32 $0x4880;
	s22 =	simm.s32 $0x5880;
	[dreg:$0x9] =	wrdreg s7  }
0x18: {  	v0 =	vand.u32 $0x7, v2;
	v2 =	vor.u32 $0x8, v2;
	v1 =	vmul.u32 $0x8, v1;
	s7 =	smax.u32 s1, $0x1;
	s25 =	simm.s32 $0x7080;
	s1 =	simm.s32 $0xA880  }
.LBB2_1:
0x19: {  	s11 =	rddreg [dreg:$0x2]  }
0x1a: {  	[tilespmem:s2], [sflag:$0x2] =	stream.linear.gather [hbm4b:s11+s2], $0x30, $0x38;
	[tilespmem:$0xC080] =	vst v63  }
0x1b: {  	_ =	swait.ge [sflag:s8], $0x30  }
0x1c: {  	[sflag:s8] =	ssyncset.done $0x0  }
0x1d: {  	[sflag:s8] =	ssyncadd.s32 $0xFFFFFFD0  }
0x1e: {  	v3 =	vld [tilespmem:$0x0];
	_ =	sdelay $0x4  }
0x1f: {  	v4 =	vshll.u32 v3, $0x3  }
0x20: {  	v3 =	vand.u32 $0x7, v3;
	v4 =	vand.u32 $0xFFFFFFC0, v4  }
0x21: {  	v3 =	vor.u32 v3, v4  }
0x22: {  	v4 =	vperm.xlane v3, v0;
	_ =	sdelay $0x1  }
0x23: {  	v4 =	vadd.s32 v1, v4;
	_ =	sdelay $0x4  }
0x24: {  	[tilespmem:s9], [sflag:$0x1] =	stream.indirect_vreg.gather [hbm4b:s3+s2], $0x80, v4, vm0, $0xb8;
	[tilespmem:$0xC080] =	vst v63  }
0x25: {  	v3 =	vperm.xlane v3, v2  }
0x26: {  	[tilespmem:s12], [sflag:$0x1] =	stream.indirect_vreg.gather [hbm4b:s4+s2], $0x80, v4, vm0, $0xb8;
	[tilespmem:$0xC080] =	vst v63  }
0x27: {  	v3 =	vadd.s32 v1, v3  }
0x28: {  	[tilespmem:s13], [sflag:$0x1] =	stream.indirect_vreg.gather [hbm4b:s5+s2], $0x80, v4, vm0, $0xb8;
	[tilespmem:$0xC080] =	vst v63  }
0x29: {  	_ = 	snop  }
0x2a: {  	[tilespmem:s14], [sflag:$0x1] =	stream.indirect_vreg.gather [hbm4b:s6+s2], $0x80, v4, vm0, $0xb8;
	[tilespmem:$0xC080] =	vst v63  }
0x2b: {  	_ = 	snop  }
0x2c: {  	[tilespmem:s15], [sflag:$0x1] =	stream.indirect_vreg.gather [hbm4b:s3+s2], $0x80, v3, vm0, $0xb8;
	[tilespmem:$0xC080] =	vst v63  }
0x2d: {  	_ = 	snop  }
0x2e: {  	[tilespmem:s16], [sflag:$0x1] =	stream.indirect_vreg.gather [hbm4b:s4+s2], $0x80, v3, vm0, $0xb8;
	[tilespmem:$0xC080] =	vst v63  }
0x2f: {  	_ = 	snop  }
0x30: {  	[tilespmem:s17], [sflag:$0x1] =	stream.indirect_vreg.gather [hbm4b:s5+s2], $0x80, v3, vm0, $0xb8;
	[tilespmem:$0xC080] =	vst v63  }
0x31: {  	_ = 	snop  }
0x32: {  	[tilespmem:s18], [sflag:$0x1] =	stream.indirect_vreg.gather [hbm4b:s6+s2], $0x80, v3, vm0, $0xb8;
	[tilespmem:$0xC080] =	vst v63  }
0x33: {  	v3 =	vld [tilespmem:$0x10];
	_ =	sdelay $0x4  }
0x34: {  	v53 =	vshll.u32 v3, $0x3  }
0x35: {  	v3 =	vand.u32 $0x7, v3;
	v4 =	vand.u32 $0xFFFFFFC0, v53  }
0x36: {  	v3 =	vor.u32 v3, v4  }
0x37: {  	v4 =	vperm.xlane v3, v0;
	_ =	sdelay $0x1  }
0x38: {  	v4 =	vadd.s32 v1, v4;
	_ =	sdelay $0x4  }
0x39: {  	[tilespmem:s19], [sflag:$0x1] =	stream.indirect_vreg.gather [hbm4b:s3+s2], $0x80, v4, vm0, $0xb8;
	[tilespmem:$0xC080] =	vst v63  }
0x3a: {  	v3 =	vperm.xlane v3, v2  }
0x3b: {  	[tilespmem:s20], [sflag:$0x1] =	stream.indirect_vreg.gather [hbm4b:s4+s2], $0x80, v4, vm0, $0xb8;
	[tilespmem:$0xC080] =	vst v63  }
0x3c: {  	v3 =	vadd.s32 v1, v3  }
0x3d: {  	[tilespmem:s21], [sflag:$0x1] =	stream.indirect_vreg.gather [hbm4b:s5+s2], $0x80, v4, vm0, $0xb8;
	[tilespmem:$0xC080] =	vst v63  }
0x3e: {  	_ = 	snop  }
0x3f: {  	[tilespmem:s22], [sflag:$0x1] =	stream.indirect_vreg.gather [hbm4b:s6+s2], $0x80, v4, vm0, $0xb8;
	[tilespmem:$0xC080] =	vst v63  }
0x40: {  	_ = 	snop  }
0x41: {  	[tilespmem:s23], [sflag:$0x1] =	stream.indirect_vreg.gather [hbm4b:s3+s2], $0x80, v3, vm0, $0xb8;
	[tilespmem:$0xC080] =	vst v63  }
0x42: {  	_ = 	snop  }
0x43: {  	[tilespmem:s24], [sflag:$0x1] =	stream.indirect_vreg.gather [hbm4b:s4+s2], $0x80, v3, vm0, $0xb8;
	[tilespmem:$0xC080] =	vst v63  }
0x44: {  	_ = 	snop  }
0x45: {  	[tilespmem:s25], [sflag:$0x1] =	stream.indirect_vreg.gather [hbm4b:s5+s2], $0x80, v3, vm0, $0xb8;
	[tilespmem:$0xC080] =	vst v63  }
0x46: {  	_ = 	snop  }
0x47: {  	[tilespmem:s26], [sflag:$0x1] =	stream.indirect_vreg.gather [hbm4b:s6+s2], $0x80, v3, vm0, $0xb8;
	[tilespmem:$0xC080] =	vst v63  }
0x48: {  	v3 =	vld [tilespmem:$0x20];
	_ =	sdelay $0x4  }
0x49: {  	v54 =	vshll.u32 v3, $0x3  }
0x4a: {  	v3 =	vand.u32 $0x7, v3;
	v4 =	vand.u32 $0xFFFFFFC0, v54  }
0x4b: {  	v3 =	vor.u32 v3, v4  }
0x4c: {  	v4 =	vperm.xlane v3, v0;
	_ =	sdelay $0x1  }
0x4d: {  	v4 =	vadd.s32 v1, v4;
	_ =	sdelay $0x4  }
0x4e: {  	[tilespmem:s28], [sflag:$0x1] =	stream.indirect_vreg.gather [hbm4b:s3+s2], $0x80, v4, vm0, $0xb8;
	[tilespmem:$0xC080] =	vst v63  }
0x4f: {  	v3 =	vperm.xlane v3, v2  }
0x50: {  	[tilespmem:s29], [sflag:$0x1] =	stream.indirect_vreg.gather [hbm4b:s4+s2], $0x80, v4, vm0, $0xb8;
	[tilespmem:$0xC080] =	vst v63  }
0x51: {  	v3 =	vadd.s32 v1, v3  }
0x52: {  	[tilespmem:s30], [sflag:$0x1] =	stream.indirect_vreg.gather [hbm4b:s5+s2], $0x80, v4, vm0, $0xb8;
	[tilespmem:$0xC080] =	vst v63  }
0x53: {  	_ = 	snop  }
0x54: {  	[tilespmem:s31], [sflag:$0x1] =	stream.indirect_vreg.gather [hbm4b:s6+s2], $0x80, v4, vm0, $0xb8;
	[tilespmem:$0xC080] =	vst v63  }
0x55: {  	s0 =	simm.s32 $0xA080  }
0x56: {  	[tilespmem:s0], [sflag:$0x1] =	stream.indirect_vreg.gather [hbm4b:s3+s2], $0x80, v3, vm0, $0xb8;
	[tilespmem:$0xC080] =	vst v63  }
0x57: {  	_ = 	snop  }
0x58: {  	[tilespmem:s1], [sflag:$0x1] =	stream.indirect_vreg.gather [hbm4b:s4+s2], $0x80, v3, vm0, $0xb8;
	[tilespmem:$0xC080] =	vst v63  }
0x59: {  	s11 =	simm.s32 $0xB080  }
0x5a: {  	[tilespmem:s11], [sflag:$0x1] =	stream.indirect_vreg.gather [hbm4b:s5+s2], $0x80, v3, vm0, $0xb8;
	[tilespmem:$0xC080] =	vst v63  }
0x5b: {  	s11 =	simm.s32 $0xB880  }
0x5c: {  	[tilespmem:s11], [sflag:$0x1] =	stream.indirect_vreg.gather [hbm4b:s6+s2], $0x80, v3, vm0, $0xb8;
	[tilespmem:$0xC080] =	vst v63  }
0x5d: {  	_ =	swait.ge [sflag:s10], $0xC000  }
0x5e: {  	[sflag:s10] =	ssyncset.done $0x0  }
0x5f: {  	s11 =	rddreg [dreg:$0x3];
	[sflag:s10] =	ssyncadd.s32 $0xFFFF4000  }
0x60: {  	[hbm4b:s11+s2] =	stream.linear.scatter [tilespmem:s9], [sflag:$0x2], $0xC000, $0x38;
	[tilespmem:$0xC080] =	vst v63  }
0x61: {  	_ =	swait.ge [sflag:s8], $0xC000  }
0x62: {  	[sflag:s8] =	ssyncset.done $0x0  }
0x63: {  	s11 =	rddreg [dreg:$0x4];
	[sflag:s8] =	ssyncadd.s32 $0xFFFF4000  }
0x64: {  	[tilespmem:s2], [sflag:$0x2] =	stream.linear.gather [hbm4b:s11+s2], $0x30, $0x38;
	[tilespmem:$0xC080] =	vst v63  }
0x65: {  	_ =	swait.ge [sflag:s8], $0x30  }
0x66: {  	[sflag:s8] =	ssyncset.done $0x0  }
0x67: {  	[sflag:s8] =	ssyncadd.s32 $0xFFFFFFD0  }
0x68: {  	v3 =	vld [tilespmem:$0x0];
	_ =	sdelay $0x4  }
0x69: {  	v55 =	vshll.u32 v3, $0x3  }
0x6a: {  	v3 =	vand.u32 $0x7, v3;
	v4 =	vand.u32 $0xFFFFFFC0, v55  }
0x6b: {  	v3 =	vor.u32 v3, v4  }
0x6c: {  	v4 =	vperm.xlane v3, v0;
	_ =	sdelay $0x1  }
0x6d: {  	v4 =	vadd.s32 v1, v4;
	_ =	sdelay $0x4  }
0x6e: {  	[tilespmem:s9], [sflag:$0x1] =	stream.indirect_vreg.gather [hbm4b:s3+s2], $0x80, v4, vm0, $0xb8;
	[tilespmem:$0xC080] =	vst v63  }
0x6f: {  	v3 =	vperm.xlane v3, v2  }
0x70: {  	[tilespmem:s12], [sflag:$0x1] =	stream.indirect_vreg.gather [hbm4b:s4+s2], $0x80, v4, vm0, $0xb8;
	[tilespmem:$0xC080] =	vst v63  }
0x71: {  	v3 =	vadd.s32 v1, v3  }
0x72: {  	[tilespmem:s13], [sflag:$0x1] =	stream.indirect_vreg.gather [hbm4b:s5+s2], $0x80, v4, vm0, $0xb8;
	[tilespmem:$0xC080] =	vst v63  }
0x73: {  	_ = 	snop  }
0x74: {  	[tilespmem:s14], [sflag:$0x1] =	stream.indirect_vreg.gather [hbm4b:s6+s2], $0x80, v4, vm0, $0xb8;
	[tilespmem:$0xC080] =	vst v63  }
0x75: {  	_ = 	snop  }
0x76: {  	[tilespmem:s15], [sflag:$0x1] =	stream.indirect_vreg.gather [hbm4b:s3+s2], $0x80, v3, vm0, $0xb8;
	[tilespmem:$0xC080] =	vst v63  }
0x77: {  	_ = 	snop  }
0x78: {  	[tilespmem:s16], [sflag:$0x1] =	stream.indirect_vreg.gather [hbm4b:s4+s2], $0x80, v3, vm0, $0xb8;
	[tilespmem:$0xC080] =	vst v63  }
0x79: {  	_ = 	snop  }
0x7a: {  	[tilespmem:s17], [sflag:$0x1] =	stream.indirect_vreg.gather [hbm4b:s5+s2], $0x80, v3, vm0, $0xb8;
	[tilespmem:$0xC080] =	vst v63  }
0x7b: {  	_ = 	snop  }
0x7c: {  	[tilespmem:s18], [sflag:$0x1] =	stream.indirect_vreg.gather [hbm4b:s6+s2], $0x80, v3, vm0, $0xb8;
	[tilespmem:$0xC080] =	vst v63  }
0x7d: {  	v3 =	vld [tilespmem:$0x10];
	_ =	sdelay $0x4  }
0x7e: {  	v56 =	vshll.u32 v3, $0x3  }
0x7f: {  	v3 =	vand.u32 $0x7, v3;
	v4 =	vand.u32 $0xFFFFFFC0, v56  }
0x80: {  	v3 =	vor.u32 v3, v4  }
0x81: {  	v4 =	vperm.xlane v3, v0;
	_ =	sdelay $0x1  }
0x82: {  	v4 =	vadd.s32 v1, v4;
	_ =	sdelay $0x4  }
0x83: {  	[tilespmem:s19], [sflag:$0x1] =	stream.indirect_vreg.gather [hbm4b:s3+s2], $0x80, v4, vm0, $0xb8;
	[tilespmem:$0xC080] =	vst v63  }
0x84: {  	v3 =	vperm.xlane v3, v2  }
0x85: {  	[tilespmem:s20], [sflag:$0x1] =	stream.indirect_vreg.gather [hbm4b:s4+s2], $0x80, v4, vm0, $0xb8;
	[tilespmem:$0xC080] =	vst v63  }
0x86: {  	v3 =	vadd.s32 v1, v3  }
0x87: {  	[tilespmem:s21], [sflag:$0x1] =	stream.indirect_vreg.gather [hbm4b:s5+s2], $0x80, v4, vm0, $0xb8;
	[tilespmem:$0xC080] =	vst v63  }
0x88: {  	_ = 	snop  }
0x89: {  	[tilespmem:s22], [sflag:$0x1] =	stream.indirect_vreg.gather [hbm4b:s6+s2], $0x80, v4, vm0, $0xb8;
	[tilespmem:$0xC080] =	vst v63  }
0x8a: {  	_ = 	snop  }
0x8b: {  	[tilespmem:s23], [sflag:$0x1] =	stream.indirect_vreg.gather [hbm4b:s3+s2], $0x80, v3, vm0, $0xb8;
	[tilespmem:$0xC080] =	vst v63  }
0x8c: {  	_ = 	snop  }
0x8d: {  	[tilespmem:s24], [sflag:$0x1] =	stream.indirect_vreg.gather [hbm4b:s4+s2], $0x80, v3, vm0, $0xb8;
	[tilespmem:$0xC080] =	vst v63  }
0x8e: {  	_ = 	snop  }
0x8f: {  	[tilespmem:s25], [sflag:$0x1] =	stream.indirect_vreg.gather [hbm4b:s5+s2], $0x80, v3, vm0, $0xb8;
	[tilespmem:$0xC080] =	vst v63  }
0x90: {  	_ = 	snop  }
0x91: {  	[tilespmem:s26], [sflag:$0x1] =	stream.indirect_vreg.gather [hbm4b:s6+s2], $0x80, v3, vm0, $0xb8;
	[tilespmem:$0xC080] =	vst v63  }
0x92: {  	v3 =	vld [tilespmem:$0x20];
	_ =	sdelay $0x4  }
0x93: {  	v57 =	vshll.u32 v3, $0x3  }
0x94: {  	v3 =	vand.u32 $0x7, v3;
	v4 =	vand.u32 $0xFFFFFFC0, v57  }
0x95: {  	v3 =	vor.u32 v3, v4  }
0x96: {  	v4 =	vperm.xlane v3, v0;
	_ =	sdelay $0x1  }
0x97: {  	v4 =	vadd.s32 v1, v4;
	_ =	sdelay $0x4  }
0x98: {  	[tilespmem:s28], [sflag:$0x1] =	stream.indirect_vreg.gather [hbm4b:s3+s2], $0x80, v4, vm0, $0xb8;
	[tilespmem:$0xC080] =	vst v63  }
0x99: {  	v3 =	vperm.xlane v3, v2  }
0x9a: {  	[tilespmem:s29], [sflag:$0x1] =	stream.indirect_vreg.gather [hbm4b:s4+s2], $0x80, v4, vm0, $0xb8;
	[tilespmem:$0xC080] =	vst v63  }
0x9b: {  	v3 =	vadd.s32 v1, v3  }
0x9c: {  	[tilespmem:s30], [sflag:$0x1] =	stream.indirect_vreg.gather [hbm4b:s5+s2], $0x80, v4, vm0, $0xb8;
	[tilespmem:$0xC080] =	vst v63  }
0x9d: {  	_ = 	snop  }
0x9e: {  	[tilespmem:s31], [sflag:$0x1] =	stream.indirect_vreg.gather [hbm4b:s6+s2], $0x80, v4, vm0, $0xb8;
	[tilespmem:$0xC080] =	vst v63  }
0x9f: {  	_ = 	snop  }
0xa0: {  	[tilespmem:s0], [sflag:$0x1] =	stream.indirect_vreg.gather [hbm4b:s3+s2], $0x80, v3, vm0, $0xb8;
	[tilespmem:$0xC080] =	vst v63  }
0xa1: {  	_ = 	snop  }
0xa2: {  	[tilespmem:s1], [sflag:$0x1] =	stream.indirect_vreg.gather [hbm4b:s4+s2], $0x80, v3, vm0, $0xb8;
	[tilespmem:$0xC080] =	vst v63  }
0xa3: {  	s11 =	simm.s32 $0xB080  }
0xa4: {  	[tilespmem:s11], [sflag:$0x1] =	stream.indirect_vreg.gather [hbm4b:s5+s2], $0x80, v3, vm0, $0xb8;
	[tilespmem:$0xC080] =	vst v63  }
0xa5: {  	s11 =	simm.s32 $0xB880  }
0xa6: {  	[tilespmem:s11], [sflag:$0x1] =	stream.indirect_vreg.gather [hbm4b:s6+s2], $0x80, v3, vm0, $0xb8;
	[tilespmem:$0xC080] =	vst v63  }
0xa7: {  	_ =	swait.ge [sflag:s10], $0xC000  }
0xa8: {  	[sflag:s10] =	ssyncset.done $0x0  }
0xa9: {  	s11 =	rddreg [dreg:$0x5];
	[sflag:s10] =	ssyncadd.s32 $0xFFFF4000  }
0xaa: {  	[hbm4b:s11+s2] =	stream.linear.scatter [tilespmem:s9], [sflag:$0x2], $0xC000, $0x38;
	[tilespmem:$0xC080] =	vst v63  }
0xab: {  	_ =	swait.ge [sflag:s8], $0xC000  }
0xac: {  	[sflag:s8] =	ssyncset.done $0x0  }
0xad: {  	s11 =	rddreg [dreg:$0x6];
	[sflag:s8] =	ssyncadd.s32 $0xFFFF4000  }
0xae: {  	[tilespmem:s2], [sflag:$0x2] =	stream.linear.gather [hbm4b:s11+s2], $0x30, $0x38;
	[tilespmem:$0xC080] =	vst v63  }
0xaf: {  	_ =	swait.ge [sflag:s8], $0x30  }
0xb0: {  	[sflag:s8] =	ssyncset.done $0x0  }
0xb1: {  	[sflag:s8] =	ssyncadd.s32 $0xFFFFFFD0  }
0xb2: {  	v3 =	vld [tilespmem:$0x0];
	_ =	sdelay $0x4  }
0xb3: {  	v58 =	vshll.u32 v3, $0x3  }
0xb4: {  	v3 =	vand.u32 $0x7, v3;
	v4 =	vand.u32 $0xFFFFFFC0, v58  }
0xb5: {  	v3 =	vor.u32 v3, v4  }
0xb6: {  	v4 =	vperm.xlane v3, v0;
	_ =	sdelay $0x1  }
0xb7: {  	v4 =	vadd.s32 v1, v4;
	_ =	sdelay $0x4  }
0xb8: {  	[tilespmem:s9], [sflag:$0x1] =	stream.indirect_vreg.gather [hbm4b:s3+s2], $0x80, v4, vm0, $0xb8;
	[tilespmem:$0xC080] =	vst v63  }
0xb9: {  	v3 =	vperm.xlane v3, v2  }
0xba: {  	[tilespmem:s12], [sflag:$0x1] =	stream.indirect_vreg.gather [hbm4b:s4+s2], $0x80, v4, vm0, $0xb8;
	[tilespmem:$0xC080] =	vst v63  }
0xbb: {  	v3 =	vadd.s32 v1, v3  }
0xbc: {  	[tilespmem:s13], [sflag:$0x1] =	stream.indirect_vreg.gather [hbm4b:s5+s2], $0x80, v4, vm0, $0xb8;
	[tilespmem:$0xC080] =	vst v63  }
0xbd: {  	_ = 	snop  }
0xbe: {  	[tilespmem:s14], [sflag:$0x1] =	stream.indirect_vreg.gather [hbm4b:s6+s2], $0x80, v4, vm0, $0xb8;
	[tilespmem:$0xC080] =	vst v63  }
0xbf: {  	_ = 	snop  }
0xc0: {  	[tilespmem:s15], [sflag:$0x1] =	stream.indirect_vreg.gather [hbm4b:s3+s2], $0x80, v3, vm0, $0xb8;
	[tilespmem:$0xC080] =	vst v63  }
0xc1: {  	_ = 	snop  }
0xc2: {  	[tilespmem:s16], [sflag:$0x1] =	stream.indirect_vreg.gather [hbm4b:s4+s2], $0x80, v3, vm0, $0xb8;
	[tilespmem:$0xC080] =	vst v63  }
0xc3: {  	_ = 	snop  }
0xc4: {  	[tilespmem:s17], [sflag:$0x1] =	stream.indirect_vreg.gather [hbm4b:s5+s2], $0x80, v3, vm0, $0xb8;
	[tilespmem:$0xC080] =	vst v63  }
0xc5: {  	_ = 	snop  }
0xc6: {  	[tilespmem:s18], [sflag:$0x1] =	stream.indirect_vreg.gather [hbm4b:s6+s2], $0x80, v3, vm0, $0xb8;
	[tilespmem:$0xC080] =	vst v63  }
0xc7: {  	v3 =	vld [tilespmem:$0x10];
	_ =	sdelay $0x4  }
0xc8: {  	v59 =	vshll.u32 v3, $0x3  }
0xc9: {  	v3 =	vand.u32 $0x7, v3;
	v4 =	vand.u32 $0xFFFFFFC0, v59  }
0xca: {  	v3 =	vor.u32 v3, v4  }
0xcb: {  	v4 =	vperm.xlane v3, v0;
	_ =	sdelay $0x1  }
0xcc: {  	v4 =	vadd.s32 v1, v4;
	_ =	sdelay $0x4  }
0xcd: {  	[tilespmem:s19], [sflag:$0x1] =	stream.indirect_vreg.gather [hbm4b:s3+s2], $0x80, v4, vm0, $0xb8;
	[tilespmem:$0xC080] =	vst v63  }
0xce: {  	v3 =	vperm.xlane v3, v2  }
0xcf: {  	[tilespmem:s20], [sflag:$0x1] =	stream.indirect_vreg.gather [hbm4b:s4+s2], $0x80, v4, vm0, $0xb8;
	[tilespmem:$0xC080] =	vst v63  }
0xd0: {  	v3 =	vadd.s32 v1, v3  }
0xd1: {  	[tilespmem:s21], [sflag:$0x1] =	stream.indirect_vreg.gather [hbm4b:s5+s2], $0x80, v4, vm0, $0xb8;
	[tilespmem:$0xC080] =	vst v63  }
0xd2: {  	_ = 	snop  }
0xd3: {  	[tilespmem:s22], [sflag:$0x1] =	stream.indirect_vreg.gather [hbm4b:s6+s2], $0x80, v4, vm0, $0xb8;
	[tilespmem:$0xC080] =	vst v63  }
0xd4: {  	_ = 	snop  }
0xd5: {  	[tilespmem:s23], [sflag:$0x1] =	stream.indirect_vreg.gather [hbm4b:s3+s2], $0x80, v3, vm0, $0xb8;
	[tilespmem:$0xC080] =	vst v63  }
0xd6: {  	_ = 	snop  }
0xd7: {  	[tilespmem:s24], [sflag:$0x1] =	stream.indirect_vreg.gather [hbm4b:s4+s2], $0x80, v3, vm0, $0xb8;
	[tilespmem:$0xC080] =	vst v63  }
0xd8: {  	_ = 	snop  }
0xd9: {  	[tilespmem:s25], [sflag:$0x1] =	stream.indirect_vreg.gather [hbm4b:s5+s2], $0x80, v3, vm0, $0xb8;
	[tilespmem:$0xC080] =	vst v63  }
0xda: {  	_ = 	snop  }
0xdb: {  	[tilespmem:s26], [sflag:$0x1] =	stream.indirect_vreg.gather [hbm4b:s6+s2], $0x80, v3, vm0, $0xb8;
	[tilespmem:$0xC080] =	vst v63  }
0xdc: {  	v3 =	vld [tilespmem:$0x20];
	_ =	sdelay $0x4  }
0xdd: {  	v60 =	vshll.u32 v3, $0x3  }
0xde: {  	v3 =	vand.u32 $0x7, v3;
	v4 =	vand.u32 $0xFFFFFFC0, v60  }
0xdf: {  	v3 =	vor.u32 v3, v4  }
0xe0: {  	v4 =	vperm.xlane v3, v0;
	_ =	sdelay $0x1  }
0xe1: {  	v4 =	vadd.s32 v1, v4;
	_ =	sdelay $0x4  }
0xe2: {  	[tilespmem:s28], [sflag:$0x1] =	stream.indirect_vreg.gather [hbm4b:s3+s2], $0x80, v4, vm0, $0xb8;
	[tilespmem:$0xC080] =	vst v63  }
0xe3: {  	v3 =	vperm.xlane v3, v2  }
0xe4: {  	[tilespmem:s29], [sflag:$0x1] =	stream.indirect_vreg.gather [hbm4b:s4+s2], $0x80, v4, vm0, $0xb8;
	[tilespmem:$0xC080] =	vst v63  }
0xe5: {  	v3 =	vadd.s32 v1, v3  }
0xe6: {  	[tilespmem:s30], [sflag:$0x1] =	stream.indirect_vreg.gather [hbm4b:s5+s2], $0x80, v4, vm0, $0xb8;
	[tilespmem:$0xC080] =	vst v63  }
0xe7: {  	_ = 	snop  }
0xe8: {  	[tilespmem:s31], [sflag:$0x1] =	stream.indirect_vreg.gather [hbm4b:s6+s2], $0x80, v4, vm0, $0xb8;
	[tilespmem:$0xC080] =	vst v63  }
0xe9: {  	_ = 	snop  }
0xea: {  	[tilespmem:s0], [sflag:$0x1] =	stream.indirect_vreg.gather [hbm4b:s3+s2], $0x80, v3, vm0, $0xb8;
	[tilespmem:$0xC080] =	vst v63  }
0xeb: {  	_ = 	snop  }
0xec: {  	[tilespmem:s1], [sflag:$0x1] =	stream.indirect_vreg.gather [hbm4b:s4+s2], $0x80, v3, vm0, $0xb8;
	[tilespmem:$0xC080] =	vst v63  }
0xed: {  	s11 =	simm.s32 $0xB080  }
0xee: {  	[tilespmem:s11], [sflag:$0x1] =	stream.indirect_vreg.gather [hbm4b:s5+s2], $0x80, v3, vm0, $0xb8;
	[tilespmem:$0xC080] =	vst v63  }
0xef: {  	s11 =	simm.s32 $0xB880  }
0xf0: {  	[tilespmem:s11], [sflag:$0x1] =	stream.indirect_vreg.gather [hbm4b:s6+s2], $0x80, v3, vm0, $0xb8;
	[tilespmem:$0xC080] =	vst v63  }
0xf1: {  	_ =	swait.ge [sflag:s10], $0xC000  }
0xf2: {  	[sflag:s10] =	ssyncset.done $0x0  }
0xf3: {  	s11 =	rddreg [dreg:$0x7];
	[sflag:s10] =	ssyncadd.s32 $0xFFFF4000  }
0xf4: {  	[hbm4b:s11+s2] =	stream.linear.scatter [tilespmem:s9], [sflag:$0x2], $0xC000, $0x38;
	[tilespmem:$0xC080] =	vst v63  }
0xf5: {  	_ =	swait.ge [sflag:s8], $0xC000  }
0xf6: {  	[sflag:s8] =	ssyncset.done $0x0  }
0xf7: {  	s11 =	rddreg [dreg:$0x8];
	[sflag:s8] =	ssyncadd.s32 $0xFFFF4000  }
0xf8: {  	[tilespmem:s2], [sflag:$0x2] =	stream.linear.gather [hbm4b:s11+s2], $0x30, $0x38;
	[tilespmem:$0xC080] =	vst v63  }
0xf9: {  	_ =	swait.ge [sflag:s8], $0x30  }
0xfa: {  	[sflag:s8] =	ssyncset.done $0x0  }
0xfb: {  	[sflag:s8] =	ssyncadd.s32 $0xFFFFFFD0  }
0xfc: {  	v3 =	vld [tilespmem:$0x0];
	_ =	sdelay $0x4  }
0xfd: {  	v61 =	vshll.u32 v3, $0x3  }
0xfe: {  	v3 =	vand.u32 $0x7, v3;
	v4 =	vand.u32 $0xFFFFFFC0, v61  }
0xff: {  	v3 =	vor.u32 v3, v4  }
0x100: {  	v4 =	vperm.xlane v3, v0;
	_ =	sdelay $0x1  }
0x101: {  	v4 =	vadd.s32 v1, v4;
	_ =	sdelay $0x4  }
0x102: {  	[tilespmem:s9], [sflag:$0x1] =	stream.indirect_vreg.gather [hbm4b:s3+s2], $0x80, v4, vm0, $0xb8;
	[tilespmem:$0xC080] =	vst v63  }
0x103: {  	v3 =	vperm.xlane v3, v2  }
0x104: {  	[tilespmem:s12], [sflag:$0x1] =	stream.indirect_vreg.gather [hbm4b:s4+s2], $0x80, v4, vm0, $0xb8;
	[tilespmem:$0xC080] =	vst v63  }
0x105: {  	v3 =	vadd.s32 v1, v3  }
0x106: {  	[tilespmem:s13], [sflag:$0x1] =	stream.indirect_vreg.gather [hbm4b:s5+s2], $0x80, v4, vm0, $0xb8;
	[tilespmem:$0xC080] =	vst v63  }
0x107: {  	_ = 	snop  }
0x108: {  	[tilespmem:s14], [sflag:$0x1] =	stream.indirect_vreg.gather [hbm4b:s6+s2], $0x80, v4, vm0, $0xb8;
	[tilespmem:$0xC080] =	vst v63  }
0x109: {  	_ = 	snop  }
0x10a: {  	[tilespmem:s15], [sflag:$0x1] =	stream.indirect_vreg.gather [hbm4b:s3+s2], $0x80, v3, vm0, $0xb8;
	[tilespmem:$0xC080] =	vst v63  }
0x10b: {  	_ = 	snop  }
0x10c: {  	[tilespmem:s16], [sflag:$0x1] =	stream.indirect_vreg.gather [hbm4b:s4+s2], $0x80, v3, vm0, $0xb8;
	[tilespmem:$0xC080] =	vst v63  }
0x10d: {  	_ = 	snop  }
0x10e: {  	[tilespmem:s17], [sflag:$0x1] =	stream.indirect_vreg.gather [hbm4b:s5+s2], $0x80, v3, vm0, $0xb8;
	[tilespmem:$0xC080] =	vst v63  }
0x10f: {  	_ = 	snop  }
0x110: {  	[tilespmem:s18], [sflag:$0x1] =	stream.indirect_vreg.gather [hbm4b:s6+s2], $0x80, v3, vm0, $0xb8;
	[tilespmem:$0xC080] =	vst v63  }
0x111: {  	v3 =	vld [tilespmem:$0x10];
	_ =	sdelay $0x4  }
0x112: {  	v62 =	vshll.u32 v3, $0x3  }
0x113: {  	v3 =	vand.u32 $0x7, v3;
	v4 =	vand.u32 $0xFFFFFFC0, v62  }
0x114: {  	v3 =	vor.u32 v3, v4  }
0x115: {  	v4 =	vperm.xlane v3, v0;
	_ =	sdelay $0x1  }
0x116: {  	v4 =	vadd.s32 v1, v4;
	_ =	sdelay $0x4  }
0x117: {  	[tilespmem:s19], [sflag:$0x1] =	stream.indirect_vreg.gather [hbm4b:s3+s2], $0x80, v4, vm0, $0xb8;
	[tilespmem:$0xC080] =	vst v63  }
0x118: {  	v3 =	vperm.xlane v3, v2  }
0x119: {  	[tilespmem:s20], [sflag:$0x1] =	stream.indirect_vreg.gather [hbm4b:s4+s2], $0x80, v4, vm0, $0xb8;
	[tilespmem:$0xC080] =	vst v63  }
0x11a: {  	v3 =	vadd.s32 v1, v3  }
0x11b: {  	[tilespmem:s21], [sflag:$0x1] =	stream.indirect_vreg.gather [hbm4b:s5+s2], $0x80, v4, vm0, $0xb8;
	[tilespmem:$0xC080] =	vst v63  }
0x11c: {  	_ = 	snop  }
0x11d: {  	[tilespmem:s22], [sflag:$0x1] =	stream.indirect_vreg.gather [hbm4b:s6+s2], $0x80, v4, vm0, $0xb8;
	[tilespmem:$0xC080] =	vst v63  }
0x11e: {  	_ = 	snop  }
0x11f: {  	[tilespmem:s23], [sflag:$0x1] =	stream.indirect_vreg.gather [hbm4b:s3+s2], $0x80, v3, vm0, $0xb8;
	[tilespmem:$0xC080] =	vst v63  }
0x120: {  	_ = 	snop  }
0x121: {  	[tilespmem:s24], [sflag:$0x1] =	stream.indirect_vreg.gather [hbm4b:s4+s2], $0x80, v3, vm0, $0xb8;
	[tilespmem:$0xC080] =	vst v63  }
0x122: {  	_ = 	snop  }
0x123: {  	[tilespmem:s25], [sflag:$0x1] =	stream.indirect_vreg.gather [hbm4b:s5+s2], $0x80, v3, vm0, $0xb8;
	[tilespmem:$0xC080] =	vst v63  }
0x124: {  	_ = 	snop  }
0x125: {  	[tilespmem:s26], [sflag:$0x1] =	stream.indirect_vreg.gather [hbm4b:s6+s2], $0x80, v3, vm0, $0xb8;
	[tilespmem:$0xC080] =	vst v63  }
0x126: {  	v3 =	vld [tilespmem:$0x20];
	_ =	sdelay $0x4  }
0x127: {  	v63 =	vshll.u32 v3, $0x3  }
0x128: {  	v3 =	vand.u32 $0x7, v3;
	v4 =	vand.u32 $0xFFFFFFC0, v63  }
0x129: {  	v3 =	vor.u32 v3, v4  }
0x12a: {  	v4 =	vperm.xlane v3, v0;
	_ =	sdelay $0x1  }
0x12b: {  	v4 =	vadd.s32 v1, v4;
	_ =	sdelay $0x4  }
0x12c: {  	[tilespmem:s28], [sflag:$0x1] =	stream.indirect_vreg.gather [hbm4b:s3+s2], $0x80, v4, vm0, $0xb8;
	[tilespmem:$0xC080] =	vst v63  }
0x12d: {  	v3 =	vperm.xlane v3, v2  }
0x12e: {  	[tilespmem:s29], [sflag:$0x1] =	stream.indirect_vreg.gather [hbm4b:s4+s2], $0x80, v4, vm0, $0xb8;
	[tilespmem:$0xC080] =	vst v63  }
0x12f: {  	v3 =	vadd.s32 v1, v3  }
0x130: {  	[tilespmem:s30], [sflag:$0x1] =	stream.indirect_vreg.gather [hbm4b:s5+s2], $0x80, v4, vm0, $0xb8;
	[tilespmem:$0xC080] =	vst v63  }
0x131: {  	_ = 	snop  }
0x132: {  	[tilespmem:s31], [sflag:$0x1] =	stream.indirect_vreg.gather [hbm4b:s6+s2], $0x80, v4, vm0, $0xb8;
	[tilespmem:$0xC080] =	vst v63  }
0x133: {  	_ = 	snop  }
0x134: {  	[tilespmem:s0], [sflag:$0x1] =	stream.indirect_vreg.gather [hbm4b:s3+s2], $0x80, v3, vm0, $0xb8;
	[tilespmem:$0xC080] =	vst v63  }
0x135: {  	_ = 	snop  }
0x136: {  	[tilespmem:s1], [sflag:$0x1] =	stream.indirect_vreg.gather [hbm4b:s4+s2], $0x80, v3, vm0, $0xb8;
	[tilespmem:$0xC080] =	vst v63  }
0x137: {  	s11 =	simm.s32 $0xB080  }
0x138: {  	[tilespmem:s11], [sflag:$0x1] =	stream.indirect_vreg.gather [hbm4b:s5+s2], $0x80, v3, vm0, $0xb8;
	[tilespmem:$0xC080] =	vst v63  }
0x139: {  	s11 =	simm.s32 $0xB880  }
0x13a: {  	[tilespmem:s11], [sflag:$0x1] =	stream.indirect_vreg.gather [hbm4b:s6+s2], $0x80, v3, vm0, $0xb8;
	[tilespmem:$0xC080] =	vst v63  }
0x13b: {  	_ =	swait.ge [sflag:s10], $0xC000  }
0x13c: {  	p0 =	sne.s32 s7, $0x1;
	[sflag:s10] =	ssyncset.done $0x0  }
.Ltmp0:
0x13d: {  	s0 =	rddreg [dreg:$0x9];
	[sflag:s10] =	ssyncadd.s32 $0xFFFF4000;
	(pc) =	sbr.rel @p0 .LBB2_1-.Ltmp0, $4  }
0x13e: {  	[hbm4b:s0+s2] =	stream.linear.scatter [tilespmem:s9], [sflag:$0x2], $0xC000, $0x38;
	[tilespmem:$0xC080] =	vst v63  }
0x13f: {  	_ =	swait.ge [sflag:s8], $0xC000  }
0x140: {  	[sflag:s8] =	ssyncset.done $0x0  }
0x141: {  	s7 =	sadd.s32 $0xFFFFFFFF, s7;
	[sflag:s8] =	ssyncadd.s32 $0xFFFF4000  }
0x142: {  	_ =	sfence.sel $0x180000  }
0x143: {  	[bflag:$0x0] =	sbarrier.arrive $0xFFFF  }
0x144: {  	_ =	strace $0x9000004A  }
0x145: {  	s0 =	stileid.u32;
	[bflag:$0x2] =	sbarrier.arrive $0xFFFF  }
0x146: {  	p0 =	sne.s32 s0, $0x0;
	s0 =	rddreg [dreg:$0x1]  }
0x147: {  	s0 =	sadd.s32 @!p0 $0x100000, s0  }
0x148: {  	[sflag:s0] =	ssyncadd.tile.s32 @!p0 $0x1;
	_ =	shalt  }
.Lfunc_end2:
_tile_overlayer_lowered:
.L_overlay_start_2:
0x149: {  	(tag) =	ssettag $0x2  }
0x14a: {  	s0 =	rddreg [dreg:$0x0];
	s2 =	stileid.u32  }
0x14b: {  	s1 =	rddreg [dreg:$0x1];
	p0 =	sne.s32 s2, $0x0  }
0x14c: {  	s3 =	rddreg [dreg:$0x2];
	[bflag:$0x3] =	sbarrier.arrive $0xFFFF;
	s2 =	simm.s32 @!p0 $0x1C02  }
0x14d: {  	[timem:s3], [sflag:s2] =	dma.local @!p0 [hbm:s0], s1  }
0x14e: {  	s0 =	simm.s32 @!p0 $0x2  }
0x14f: {  	_ =	swait.ge @!p0 [sflag:s0], s1  }
0x150: {  	s1 =	ssub.s32 @!p0 $0x0, s1;
	[sflag:s0] =	ssyncset.done @!p0 $0x0  }
0x151: {  	[sflag:s0] =	ssyncadd.s32 @!p0 s1  }
0x152: {  	[bflag:$0x3] =	sbarrier.arrive $0xFFFF  }
0x153: {  	_ =	shalt  }

// kernel: kernel.9.cloned.1.call-start
scs
__scs_entry_jumppad:
0x0: {  	(pc) =	sbr.rel $0x88, $3  }
0x1: {  	(tag) =	ssettag $0x0;
	lr =	simm.s32 $0x1  }
0x2: {  	[smem:$0x3F93] =	sst lr;
	_ =	strace $0xD0000000  }
0x3: {  	_ = 	snop  }
0x4: {  	_ = 	snop  }
0x5: {  	_ = 	snop  }
0x6: {  	_ = 	snop  }
0x7: {  	_ = 	snop  }
__scs_overlays_trampoline_lowered:
0x8: {  	[smem:$0x3FA2] =	sst s0  }
0x9: {  	[smem:$0x3FA3] =	sst s1  }
0xa: {  	[smem:$0x3FA4] =	sst s2  }
0xb: {  	[smem:$0x3FA5] =	sst s3  }
0xc: {  	[smem:$0x3FA6] =	sst s4  }
0xd: {  	[smem:$0x3FA7] =	sst s5  }
0xe: {  	[smem:$0x3FA8] =	sst s6  }
0xf: {  	[smem:$0x3FA9] =	sst s7  }
0x10: {  	[smem:$0x3FAA] =	sst s8  }
0x11: {  	[smem:$0x3FAB] =	sst s9;
	s0 =	simm.s32 @!p0 $0x0  }
0x12: {  	s1 =	sld [smem:$0x3F91];
	s0 =	simm.s32 @p0 $0x1  }
0x13: {  	[smem:$0x3FAC] =	sst s0;
	s0 =	simm.s32 @!p1 $0x0  }
0x14: {  	s2 =	sld [smem:$0x3F90];
	s0 =	simm.s32 @p1 $0x1  }
0x15: {  	[smem:$0x3FAD] =	sst s0;
	s0 =	simm.s32 @!p2 $0x0  }
0x16: {  	s3 =	sld [smem:$0x3FDB];
	s0 =	simm.s32 @p2 $0x1  }
0x17: {  	s4 =	simm.s32 $0x1BF5;
	[smem:$0x3FAF] =	sst s0  }
0x18: {  	s0 =	sld [smem:$0x3F92];
	_ =	swait.ge [sflag:s4], $0x0  }
0x19: {  	s7 =	sld [smem:$0x3F93]  }
0x1a: {  	s8 =	sadd.s32 $0xFFFFE003, lr  }
0x1b: {  	s9 =	sadd.s32 $0xFFFFFEF7, lr;
	s5 =	simm.s32 $0xFFFFFFFF;
	p2 =	slt.u32 s8, $0xFFFFF086  }
0x1c: {  	p1 =	slt.u32 s9, $0xF7A;
	s5 =	simm.s32 @!p2 $0x0  }
0x1d: {  	s5 =	simm.s32 @p1 $0x1;
	p0 =	seq.s32 s7, s2  }
0x1e: {  	s7 =	smul.u32 @!p0 $0xF7A, s2;
	p2 =	seq.s32 @!p0 s5, $0x0  }
0x1f: {  	s9 =	smul.u32 $0xF7A, s1;
	s8 =	simm.s32 @!p0 $0x1BF5;
	p2 =	por !p2, p0  }
0x20: {  	[sflag:s8] =	ssyncset.s32 @!p0 $0xFFFFF086;
	s6 =	sadd.s32 @!p0 s3, s7;
	s7 =	simm.s32 @!p0 $0x108  }
0x21: {  	s3 =	sadd.s32 s3, s9;
	s6 =	sadd.s32 @!p0 $0x88, s6;
	s7 =	simm.s32 @p2 $0x1082  }
0x22: {  	[simem:s7], [sflag:s8] =	dma.local @!p0 [hbm:s6], $0xF7A  }
0x23: {  	s9 =	sor.u32 $0xD0000000, s2;
	s6 =	simm.s32 $0x108;
	_ =	swait.ge @!p0 [sflag:s8], $0x0  }
0x24: {  	s3 =	sadd.s32 $0x88, s3;
	s6 =	simm.s32 @!p1 $0x1082;
	[sflag:s4] =	ssyncset.s32 $0xFFFFF086  }
0x25: {  	[simem:s6], [sflag:s4] =	dma.local [hbm:s3], $0xF7A  }
0x26: {  	[smem:$0x3F93] =	sst s1;
	(tag) =	ssettag s2;
	_ =	strace s9  }
0x27: {  	s1 =	sld [smem:$0x3FA3]  }
0x28: {  	s2 =	sld [smem:$0x3FA4]  }
0x29: {  	s4 =	sld [smem:$0x3FA6]  }
0x2a: {  	p0 =	seq.s32 s5, $0x0;
	s5 =	sld [smem:$0x3FA7]  }
0x2b: {  	s6 =	sld [smem:$0x3FA8]  }
0x2c: {  	s7 =	sld [smem:$0x3FA9]  }
0x2d: {  	s3 =	simm.s32 $0x108;
	s8 =	sld [smem:$0x3FAA]  }
0x2e: {  	s3 =	simm.s32 @!p0 $0x1082;
	s9 =	sld [smem:$0x3FAB]  }
0x2f: {  	lr =	sadd.s32 s0, s3;
	s0 =	sld [smem:$0x3FA2]  }
0x30: {  	s3 =	sld [smem:$0x3FA5]  }
0x31: {  	[smem:$0x3FAE] =	sst s10  }
0x32: {  	s10 =	sld [smem:$0x3FAC];
	_ =	sdelay $0x3  }
0x33: {  	p0 =	seq.s32 s10, $0x1;
	s10 =	sld [smem:$0x3FAE];
	_ =	sdelay $0x3  }
0x34: {  	[smem:$0x3FAE] =	sst s10  }
0x35: {  	s10 =	sld [smem:$0x3FAD];
	_ =	sdelay $0x3  }
0x36: {  	p1 =	seq.s32 s10, $0x1;
	s10 =	sld [smem:$0x3FAE];
	_ =	sdelay $0x3  }
0x37: {  	[smem:$0x3FAE] =	sst s10  }
0x38: {  	s10 =	sld [smem:$0x3FAF]  }
0x39: {  	_ = 	snop;
	(pc) =	sbr.ind lr, $3  }
0x3a: {  	_ = 	snop  }
0x3b: {  	_ = 	snop  }
0x3c: {  	p2 =	seq.s32 s10, $0x1;
	s10 =	sld [smem:$0x3FAE]  }
0x3d: {  	_ =	shalt  }
0x3e: {  	_ =	shalt  }
0x3f: {  	_ =	shalt  }
0x40: {  	_ =	shalt  }
0x41: {  	_ =	shalt  }
0x42: {  	_ =	shalt  }
0x43: {  	_ =	shalt  }
0x44: {  	_ =	shalt  }
0x45: {  	_ =	shalt  }
0x46: {  	_ =	shalt  }
0x47: {  	_ =	shalt  }
0x48: {  	_ =	shalt  }
0x49: {  	_ =	shalt  }
0x4a: {  	_ =	shalt  }
0x4b: {  	_ =	shalt  }
0x4c: {  	_ =	shalt  }
0x4d: {  	_ =	shalt  }
0x4e: {  	_ =	shalt  }
0x4f: {  	_ =	shalt  }
0x50: {  	_ =	shalt  }
0x51: {  	_ =	shalt  }
0x52: {  	_ =	shalt  }
0x53: {  	_ =	shalt  }
0x54: {  	_ =	shalt  }
0x55: {  	_ =	shalt  }
0x56: {  	_ =	shalt  }
0x57: {  	_ =	shalt  }
0x58: {  	_ =	shalt  }
0x59: {  	_ =	shalt  }
0x5a: {  	_ =	shalt  }
0x5b: {  	_ =	shalt  }
0x5c: {  	_ =	shalt  }
0x5d: {  	_ =	shalt  }
0x5e: {  	_ =	shalt  }
0x5f: {  	_ =	shalt  }
0x60: {  	_ =	shalt  }
0x61: {  	_ =	shalt  }
0x62: {  	_ =	shalt  }
0x63: {  	_ =	shalt  }
0x64: {  	_ =	shalt  }
0x65: {  	_ =	shalt  }
0x66: {  	_ =	shalt  }
0x67: {  	_ =	shalt  }
0x68: {  	_ =	shalt  }
0x69: {  	_ =	shalt  }
0x6a: {  	_ =	shalt  }
0x6b: {  	_ =	shalt  }
0x6c: {  	_ =	shalt  }
0x6d: {  	_ =	shalt  }
0x6e: {  	_ =	shalt  }
0x6f: {  	_ =	shalt  }
0x70: {  	_ =	shalt  }
0x71: {  	_ =	shalt  }
0x72: {  	_ =	shalt  }
0x73: {  	_ =	shalt  }
0x74: {  	_ =	shalt  }
0x75: {  	_ =	shalt  }
0x76: {  	_ =	shalt  }
0x77: {  	_ =	shalt  }
0x78: {  	_ =	shalt  }
0x79: {  	_ =	shalt  }
0x7a: {  	_ =	shalt  }
0x7b: {  	_ =	shalt  }
0x7c: {  	_ =	shalt  }
0x7d: {  	_ =	shalt  }
0x7e: {  	_ =	shalt  }
0x7f: {  	_ =	shalt  }
0x80: {  	_ =	shalt  }
0x81: {  	_ =	shalt  }
0x82: {  	_ =	shalt  }
0x83: {  	_ =	shalt  }
0x84: {  	_ =	shalt  }
0x85: {  	_ =	shalt  }
0x86: {  	_ =	shalt  }
0x87: {  	_ =	shalt  }
.Lfunc_end0:
.L_simem_size_0:
called_computation_lowered:
.L_overlay_start_0:
0x88: {  	s2 =	sld [smem:$0x3FD9]  }
0x89: {  	s3 =	sld [smem:$0x3FFE];
	_ =	sdelay $0x1  }
0x8a: {  	s1 =	srdreg.scid  }
0x8b: {  	s0 =	sand.u32 $0x1, s1  }
0x8c: {  	s14 =	sshll.u32 s0, $0xA;
	s2 =	sadd.s32 s3, s2  }
0x8d: {  	s2 =	sadd.s32 s2, s14  }
0x8e: {  	[smem:$0x3FBA] =	sst s2  }
0x8f: {  	_ = 	snop  }
0x90: {  	s2 =	sld [smem:$0x3FD0];
	_ =	sdelay $0x2  }
0x91: {  	s15 =	simm.s32 $0xA;
	s4 =	simm.s32 $0x10  }
0x92: {  	[smem:s4], [sflag:s15] =	dma.local [hbm:s2], $0x1  }
0x93: {  	_ =	swait.eq [sflag:s15], $0x1  }
0x94: {  	[sflag:s15] =	ssyncset.done $0x0  }
0x95: {  	[sflag:s15] =	ssyncadd.s32 $0xFFFFFFFF  }
0x96: {  	s16 =	sld [smem:$0x10];
	(tm) =	ssettm $0x1  }
0x97: {  	s17 =	sld [smem:$0x3FFB];
	_ =	sdelay $0x3  }
0x98: {  	_ =	strace s17  }
0x99: {  	s3 =	sld [smem:$0x3FFC];
	_ =	sdelay $0x3  }
0x9a: {  	_ =	strace s3  }
0x9b: {  	s3 =	sld [smem:$0x3FFD];
	_ =	sdelay $0x3  }
0x9c: {  	_ =	strace s3  }
0x9d: {  	_ =	strace $0x8FFFFFFF  }
0x9e: {  	s18 =	sld [smem:$0x3FDB];
	_ =	sdelay $0x1  }
0x9f: {  	s19 =	simm.s32 $_scs_section_size  }
0xa0: {  	s5 =	simm.s32 $_size__tile_overlayer_lowered;
	s6 =	simm.s32 $_tile_overlayer_lowered  }
0xa1: {  	s22 =	simm.s32 $0x1BFF;
	s21 =	sshll.u32 s6, $0x1;
	s3 =	sadd.s32 s19, s18  }
0xa2: {  	s7 =	simm.s32 $0x0;
	s20 =	sshll.u32 s5, $0x1;
	s5 =	sadd.s32 s21, s3  }
0xa3: {  	[timem:s7], [sflag:s22] =	dma.local [hbm:s5], s20  }
0xa4: {  	_ =	swait.ge [sflag:s22], s20  }
0xa5: {  	s4 =	ssub.s32 $0x0, s20;
	[sflag:s22] =	ssyncset.done $0x0  }
0xa6: {  	[sflag:s22] =	ssyncadd.s32 s4;
	_ =	sdelay $0x1  }
0xa7: {  	s23 =	simm.s32 $0x1B8B  }
0xa8: {  	_ =	swait.ge [sflag:s23], $0x1  }
0xa9: {  	[sflag:s23] =	ssyncset.done $0x0  }
0xaa: {  	s25 =	simm.s32 $0x1B8E;
	s24 =	sld [smem:$0x3FFE];
	[sflag:s23] =	ssyncadd.s32 $0xFFFFFFFF  }
0xab: {  	s26 =	simm.s32 $execute0_lowered;
	[smem:$0x3FD2] =	sst s25  }
0xac: {  	s5 =	sshll.u32 s26, $0x1;
	_ =	strace $0x80000046;
	[dreg:$0x1] =	wrdreg $0xFFFFFFFF  }
0xad: {  	s28 =	simm.s32 $_size_execute0_lowered;
	s3 =	sadd.s32 s3, s5;
	[dreg:$0x0] =	wrdreg $0x0  }
0xae: {  	s5 =	sshll.u32 s28, $0x1;
	[dreg:$0x2] =	wrdreg s3  }
0xaf: {  	[dreg:$0x3] =	wrdreg s5  }
0xb0: {  	[dreg:$0x4] =	wrdreg $0xC0  }
0xb1: {  	_ =	task [dreg:s7], $0x5FFFF  }
0xb2: {  	[dreg:$0x1] =	wrdreg $0xFFFFFFFF  }
0xb3: {  	[dreg:$0x0] =	wrdreg $0x60  }
0xb4: {  	[dreg:$0x2] =	wrdreg s16  }
0xb5: {  	[dreg:$0x3] =	wrdreg s24  }
0xb6: {  	[dreg:$0x4] =	wrdreg $0x9  }
0xb7: {  	_ =	task.clear_ibuf [dreg:s7], $0x5FFFF;
	_ =	strace $0x90000046  }
0xb8: {  	s29 =	simm.s32 $0x9;
	_ =	strace $0x80000048  }
0xb9: {  	_ =	swait.ge [sflag:s29], $0x1  }
0xba: {  	[sflag:s29] =	ssyncadd.s32 $0xFFFFFFFF  }
0xbb: {  	_ =	strace $0x90000048  }
0xbc: {  	_ =	sfence  }
0xbd: {  	s30 =	sld [smem:$0x0];
	_ =	sdelay $0x2  }
0xbe: {  	s31 =	sshll.u32 s1, $0xD;
	s1 =	sshrl.u32 s1, $0x2  }
0xbf: {  	s3 =	sand.u32 $0x4000, s31;
	s1 =	sadd.s32 s1, s30  }
0xc0: {  	s0 =	sor.u32 s3, s0;
	s1 =	sshll.u32 s1, $0x11  }
0xc1: {  	s0 =	sor.u32 s1, s0  }
0xc2: {  	s0 =	sadd.s32 $0x8F2B, s0  }
0xc3: {  	[sflag:s0] =	ssyncadd.remote.s32 $0x1  }
0xc4: {  	_ =	sfence.sel $0xFFFF  }
0xc5: {  	[dreg:$0x0] =	wrdreg $0xFFFFFFFF;
	(pc) =	sbr.abs _section_cstart, $3  }
0xc6: {  	[dreg:$0x1] =	wrdreg $0xFFFFFFFF  }
0xc7: {  	_ =	task.clear_ibuf [dreg:s7], $0x2FFFF;
	_ =	strace $0x9FFFFFFF  }
0xc8: {  	(tm) =	ssettm $0x7FFFFFFF  }
0xc9: {  	_ =	shalt  }
tec
execute0_lowered:
.L_overlay_start_1:
0x0: {  	(tag) =	ssettag $0x1  }
0x1: {  	s1 =	rddreg [dreg:$0x0]  }
0x2: {  	s0 =	rddreg [dreg:$0x1]  }
0x3: {  	s2 =	srdreg.scid;
	s3 =	simm.s32 $0x0;
	s4 =	stileid.u32  }
0x4: {  	s18 =	simm.s32 $0x1;
	s2 =	sand.u32 $0x1, s2;
	[smem:$0x7FF] =	sst s3  }
0x5: {  	s4 =	sshll.u32 s4, $0x9;
	s7 =	sadd.s32 $0x600, s0;
	s0 =	sadd.s32 $0xA00, s0  }
0x6: {  	s5 =	sshll.u32 s2, $0x8;
	_ =	strace $0x80000047;
	s2 =	ssub.s32 $0x2, s2  }
0x7: {  	s6 =	sor.u32 s5, s4;
	s22 =	sshrl.u32 s2, $0x1;
	s4 =	sadd.s32 $0x100, s1  }
0x8: {  	s5 =	sshrl.u32 s6, $0x3;
	s2 =	ssub.s32 s2, s22;
	s24 =	sshll.u32 s6, $0x7  }
0x9: {  	s8 =	sor.u32 $0x40, s6;
	s26 =	sor.u32 $0x80, s6;
	s6 =	sor.u32 $0xC0, s6  }
0xa: {  	s23 =	sadd.s32 s7, s5;
	s5 =	sadd.s32 s0, s24;
	s9 =	sshrl.u32 s8, $0x3  }
0xb: {  	s8 =	sshll.u32 s8, $0x7;
	s28 =	sshrl.u32 s26, $0x3;
	[dreg:$0x3] =	wrdreg s23  }
0xc: {  	s30 =	sshrl.u32 s6, $0x3;
	[dreg:$0x4] =	wrdreg s5;
	s25 =	sadd.s32 s7, s9  }
0xd: {  	s31 =	sshll.u32 s6, $0x7;
	s8 =	sadd.s32 s0, s8;
	[dreg:$0x5] =	wrdreg s25  }
0xe: {  	s9 =	sshll.u32 s26, $0x7;
	[dreg:$0x6] =	wrdreg s8;
	s8 =	sadd.s32 s7, s28  }
0xf: {  	s6 =	sadd.s32 $0x300, s1;
	s29 =	sadd.s32 s0, s9;
	[dreg:$0x7] =	wrdreg s8  }
0x10: {  	v2 =	vlaneseq.u32;
	s5 =	sadd.s32 $0x200, s1;
	s7 =	sadd.s32 s7, s30;
	[dreg:$0x8] =	wrdreg s29  }
0x11: {  	vm0 =	vmmov $0xffff;
	v1 =	vshrl.u32 v2, $0x3;
	s23 =	simm.s32 $0x80;
	s0 =	sadd.s32 s0, s31;
	[dreg:$0x9] =	wrdreg s7  }
0x12: {  	v0 =	vand.u32 $0x7, v2;
	v2 =	vor.u32 $0x8, v2;
	v1 =	vmul.u32 $0x8, v1;
	[dreg:$0xa] =	wrdreg s0;
	s7 =	smax.u32 s2, $0x1;
	s8 =	simm.s32 $0x2  }
.LBB2_1:
0x13: {  	s19 =	rddreg [dreg:$0x3]  }
0x14: {  	[tilespmem:s3], [sflag:$0x2] =	stream.linear.gather [hbm4b:s19+s3], $0x40, $0x38;
	[tilespmem:$0x10080] =	vst v63  }
0x15: {  	_ =	swait.ge [sflag:s8], $0x40  }
0x16: {  	[sflag:s8] =	ssyncset.done $0x0  }
0x17: {  	[sflag:s8] =	ssyncadd.s32 $0xFFFFFFC0  }
0x18: {  	v3 =	vld [tilespmem:$0x0];
	_ =	sdelay $0x4  }
0x19: {  	v4 =	vshll.u32 v3, $0x3  }
0x1a: {  	v3 =	vand.u32 $0x7, v3;
	v4 =	vand.u32 $0xFFFFFFC0, v4  }
0x1b: {  	v3 =	vor.u32 v3, v4  }
0x1c: {  	v4 =	vperm.xlane v3, v0;
	_ =	sdelay $0x1  }
0x1d: {  	v4 =	vadd.s32 v1, v4;
	_ =	sdelay $0x4  }
0x1e: {  	[tilespmem:s23], [sflag:$0x1] =	stream.indirect_vreg.gather [hbm4b:s1+s3], $0x80, v4, vm0, $0xb8;
	[tilespmem:$0x10080] =	vst v63  }
0x1f: {  	s0 =	simm.s32 $0x880;
	v3 =	vperm.xlane v3, v2  }
0x20: {  	[tilespmem:s0], [sflag:$0x1] =	stream.indirect_vreg.gather [hbm4b:s4+s3], $0x80, v4, vm0, $0xb8;
	[tilespmem:$0x10080] =	vst v63  }
0x21: {  	s12 =	simm.s32 $0x1080;
	v3 =	vadd.s32 v1, v3  }
0x22: {  	[tilespmem:s12], [sflag:$0x1] =	stream.indirect_vreg.gather [hbm4b:s5+s3], $0x80, v4, vm0, $0xb8;
	[tilespmem:$0x10080] =	vst v63  }
0x23: {  	s13 =	simm.s32 $0x1880  }
0x24: {  	[tilespmem:s13], [sflag:$0x1] =	stream.indirect_vreg.gather [hbm4b:s6+s3], $0x80, v4, vm0, $0xb8;
	[tilespmem:$0x10080] =	vst v63  }
0x25: {  	s15 =	simm.s32 $0x2080  }
0x26: {  	[tilespmem:s15], [sflag:$0x1] =	stream.indirect_vreg.gather [hbm4b:s1+s3], $0x80, v3, vm0, $0xb8;
	[tilespmem:$0x10080] =	vst v63  }
0x27: {  	s16 =	simm.s32 $0x2880  }
0x28: {  	[tilespmem:s16], [sflag:$0x1] =	stream.indirect_vreg.gather [hbm4b:s4+s3], $0x80, v3, vm0, $0xb8;
	[tilespmem:$0x10080] =	vst v63  }
0x29: {  	s17 =	simm.s32 $0x3080  }
0x2a: {  	[tilespmem:s17], [sflag:$0x1] =	stream.indirect_vreg.gather [hbm4b:s5+s3], $0x80, v3, vm0, $0xb8;
	[tilespmem:$0x10080] =	vst v63  }
0x2b: {  	s19 =	simm.s32 $0x3880  }
0x2c: {  	[tilespmem:s19], [sflag:$0x1] =	stream.indirect_vreg.gather [hbm4b:s6+s3], $0x80, v3, vm0, $0xb8;
	[tilespmem:$0x10080] =	vst v63  }
0x2d: {  	v3 =	vld [tilespmem:$0x10];
	_ =	sdelay $0x4  }
0x2e: {  	v49 =	vshll.u32 v3, $0x3  }
0x2f: {  	v3 =	vand.u32 $0x7, v3;
	v4 =	vand.u32 $0xFFFFFFC0, v49  }
0x30: {  	v3 =	vor.u32 v3, v4  }
0x31: {  	v4 =	vperm.xlane v3, v0;
	_ =	sdelay $0x1  }
0x32: {  	v4 =	vadd.s32 v1, v4;
	_ =	sdelay $0x3  }
0x33: {  	s20 =	simm.s32 $0x4080  }
0x34: {  	[tilespmem:s20], [sflag:$0x1] =	stream.indirect_vreg.gather [hbm4b:s1+s3], $0x80, v4, vm0, $0xb8;
	[tilespmem:$0x10080] =	vst v63  }
0x35: {  	s21 =	simm.s32 $0x4880;
	v3 =	vperm.xlane v3, v2  }
0x36: {  	[tilespmem:s21], [sflag:$0x1] =	stream.indirect_vreg.gather [hbm4b:s4+s3], $0x80, v4, vm0, $0xb8;
	[tilespmem:$0x10080] =	vst v63  }
0x37: {  	s22 =	simm.s32 $0x5080;
	v3 =	vadd.s32 v1, v3  }
0x38: {  	[tilespmem:s22], [sflag:$0x1] =	stream.indirect_vreg.gather [hbm4b:s5+s3], $0x80, v4, vm0, $0xb8;
	[tilespmem:$0x10080] =	vst v63  }
0x39: {  	s24 =	simm.s32 $0x5880  }
0x3a: {  	[tilespmem:s24], [sflag:$0x1] =	stream.indirect_vreg.gather [hbm4b:s6+s3], $0x80, v4, vm0, $0xb8;
	[tilespmem:$0x10080] =	vst v63  }
0x3b: {  	s25 =	simm.s32 $0x6080  }
0x3c: {  	[tilespmem:s25], [sflag:$0x1] =	stream.indirect_vreg.gather [hbm4b:s1+s3], $0x80, v3, vm0, $0xb8;
	[tilespmem:$0x10080] =	vst v63  }
0x3d: {  	s26 =	simm.s32 $0x6880  }
0x3e: {  	[tilespmem:s26], [sflag:$0x1] =	stream.indirect_vreg.gather [hbm4b:s4+s3], $0x80, v3, vm0, $0xb8;
	[tilespmem:$0x10080] =	vst v63  }
0x3f: {  	s28 =	simm.s32 $0x7080  }
0x40: {  	[tilespmem:s28], [sflag:$0x1] =	stream.indirect_vreg.gather [hbm4b:s5+s3], $0x80, v3, vm0, $0xb8;
	[tilespmem:$0x10080] =	vst v63  }
0x41: {  	s29 =	simm.s32 $0x7880  }
0x42: {  	[tilespmem:s29], [sflag:$0x1] =	stream.indirect_vreg.gather [hbm4b:s6+s3], $0x80, v3, vm0, $0xb8;
	[tilespmem:$0x10080] =	vst v63  }
0x43: {  	v3 =	vld [tilespmem:$0x20];
	_ =	sdelay $0x4  }
0x44: {  	v50 =	vshll.u32 v3, $0x3  }
0x45: {  	v3 =	vand.u32 $0x7, v3;
	v4 =	vand.u32 $0xFFFFFFC0, v50  }
0x46: {  	v3 =	vor.u32 v3, v4  }
0x47: {  	v4 =	vperm.xlane v3, v0;
	_ =	sdelay $0x1  }
0x48: {  	v4 =	vadd.s32 v1, v4;
	_ =	sdelay $0x3  }
0x49: {  	s30 =	simm.s32 $0x8080  }
0x4a: {  	[tilespmem:s30], [sflag:$0x1] =	stream.indirect_vreg.gather [hbm4b:s1+s3], $0x80, v4, vm0, $0xb8;
	[tilespmem:$0x10080] =	vst v63  }
0x4b: {  	s16 =	simm.s32 $0x8880;
	v3 =	vperm.xlane v3, v2  }
0x4c: {  	[tilespmem:s16], [sflag:$0x1] =	stream.indirect_vreg.gather [hbm4b:s4+s3], $0x80, v4, vm0, $0xb8;
	[tilespmem:$0x10080] =	vst v63  }
0x4d: {  	s17 =	simm.s32 $0x9080;
	v3 =	vadd.s32 v1, v3  }
0x4e: {  	[tilespmem:s17], [sflag:$0x1] =	stream.indirect_vreg.gather [hbm4b:s5+s3], $0x80, v4, vm0, $0xb8;
	[tilespmem:$0x10080] =	vst v63  }
0x4f: {  	s19 =	simm.s32 $0x9880  }
0x50: {  	[tilespmem:s19], [sflag:$0x1] =	stream.indirect_vreg.gather [hbm4b:s6+s3], $0x80, v4, vm0, $0xb8;
	[tilespmem:$0x10080] =	vst v63  }
0x51: {  	s20 =	simm.s32 $0xA080  }
0x52: {  	[tilespmem:s20], [sflag:$0x1] =	stream.indirect_vreg.gather [hbm4b:s1+s3], $0x80, v3, vm0, $0xb8;
	[tilespmem:$0x10080] =	vst v63  }
0x53: {  	s21 =	simm.s32 $0xA880  }
0x54: {  	[tilespmem:s21], [sflag:$0x1] =	stream.indirect_vreg.gather [hbm4b:s4+s3], $0x80, v3, vm0, $0xb8;
	[tilespmem:$0x10080] =	vst v63  }
0x55: {  	s22 =	simm.s32 $0xB080  }
0x56: {  	[tilespmem:s22], [sflag:$0x1] =	stream.indirect_vreg.gather [hbm4b:s5+s3], $0x80, v3, vm0, $0xb8;
	[tilespmem:$0x10080] =	vst v63  }
0x57: {  	s24 =	simm.s32 $0xB880  }
0x58: {  	[tilespmem:s24], [sflag:$0x1] =	stream.indirect_vreg.gather [hbm4b:s6+s3], $0x80, v3, vm0, $0xb8;
	[tilespmem:$0x10080] =	vst v63  }
0x59: {  	v3 =	vld [tilespmem:$0x30];
	_ =	sdelay $0x4  }
0x5a: {  	v51 =	vshll.u32 v3, $0x3  }
0x5b: {  	v3 =	vand.u32 $0x7, v3;
	v4 =	vand.u32 $0xFFFFFFC0, v51  }
0x5c: {  	v3 =	vor.u32 v3, v4  }
0x5d: {  	v4 =	vperm.xlane v3, v0;
	_ =	sdelay $0x1  }
0x5e: {  	v4 =	vadd.s32 v1, v4;
	_ =	sdelay $0x3  }
0x5f: {  	s25 =	simm.s32 $0xC080  }
0x60: {  	[tilespmem:s25], [sflag:$0x1] =	stream.indirect_vreg.gather [hbm4b:s1+s3], $0x80, v4, vm0, $0xb8;
	[tilespmem:$0x10080] =	vst v63  }
0x61: {  	s26 =	simm.s32 $0xC880;
	v3 =	vperm.xlane v3, v2  }
0x62: {  	[tilespmem:s26], [sflag:$0x1] =	stream.indirect_vreg.gather [hbm4b:s4+s3], $0x80, v4, vm0, $0xb8;
	[tilespmem:$0x10080] =	vst v63  }
0x63: {  	s29 =	simm.s32 $0xD080;
	v3 =	vadd.s32 v1, v3  }
0x64: {  	[tilespmem:s29], [sflag:$0x1] =	stream.indirect_vreg.gather [hbm4b:s5+s3], $0x80, v4, vm0, $0xb8;
	[tilespmem:$0x10080] =	vst v63  }
0x65: {  	s0 =	simm.s32 $0xD880  }
0x66: {  	[tilespmem:s0], [sflag:$0x1] =	stream.indirect_vreg.gather [hbm4b:s6+s3], $0x80, v4, vm0, $0xb8;
	[tilespmem:$0x10080] =	vst v63  }
0x67: {  	s16 =	simm.s32 $0xE080  }
0x68: {  	[tilespmem:s16], [sflag:$0x1] =	stream.indirect_vreg.gather [hbm4b:s1+s3], $0x80, v3, vm0, $0xb8;
	[tilespmem:$0x10080] =	vst v63  }
0x69: {  	s17 =	simm.s32 $0xE880  }
0x6a: {  	[tilespmem:s17], [sflag:$0x1] =	stream.indirect_vreg.gather [hbm4b:s4+s3], $0x80, v3, vm0, $0xb8;
	[tilespmem:$0x10080] =	vst v63  }
0x6b: {  	s24 =	simm.s32 $0xF080  }
0x6c: {  	[tilespmem:s24], [sflag:$0x1] =	stream.indirect_vreg.gather [hbm4b:s5+s3], $0x80, v3, vm0, $0xb8;
	[tilespmem:$0x10080] =	vst v63  }
0x6d: {  	s25 =	simm.s32 $0xF880  }
0x6e: {  	[tilespmem:s25], [sflag:$0x1] =	stream.indirect_vreg.gather [hbm4b:s6+s3], $0x80, v3, vm0, $0xb8;
	[tilespmem:$0x10080] =	vst v63  }
0x6f: {  	_ =	swait.ge [sflag:s18], $0x10000  }
0x70: {  	[sflag:s18] =	ssyncset.done $0x0  }
0x71: {  	s0 =	rddreg [dreg:$0x4];
	[sflag:s18] =	ssyncadd.s32 $0xFFFF0000  }
0x72: {  	[hbm4b:s0+s3] =	stream.linear.scatter [tilespmem:s23], [sflag:$0x2], $0x10000, $0x38;
	[tilespmem:$0x10080] =	vst v63  }
0x73: {  	_ =	swait.ge [sflag:s8], $0x10000  }
0x74: {  	[sflag:s8] =	ssyncset.done $0x0  }
0x75: {  	s16 =	rddreg [dreg:$0x5];
	[sflag:s8] =	ssyncadd.s32 $0xFFFF0000  }
0x76: {  	[tilespmem:s3], [sflag:$0x2] =	stream.linear.gather [hbm4b:s16+s3], $0x40, $0x38;
	[tilespmem:$0x10080] =	vst v63  }
0x77: {  	_ =	swait.ge [sflag:s8], $0x40  }
0x78: {  	[sflag:s8] =	ssyncset.done $0x0  }
0x79: {  	[sflag:s8] =	ssyncadd.s32 $0xFFFFFFC0  }
0x7a: {  	v3 =	vld [tilespmem:$0x0];
	_ =	sdelay $0x4  }
0x7b: {  	v52 =	vshll.u32 v3, $0x3  }
0x7c: {  	v3 =	vand.u32 $0x7, v3;
	v4 =	vand.u32 $0xFFFFFFC0, v52  }
0x7d: {  	v3 =	vor.u32 v3, v4  }
0x7e: {  	v4 =	vperm.xlane v3, v0;
	_ =	sdelay $0x1  }
0x7f: {  	v4 =	vadd.s32 v1, v4;
	_ =	sdelay $0x4  }
0x80: {  	[tilespmem:s23], [sflag:$0x1] =	stream.indirect_vreg.gather [hbm4b:s1+s3], $0x80, v4, vm0, $0xb8;
	[tilespmem:$0x10080] =	vst v63  }
0x81: {  	s14 =	simm.s32 $0x880;
	v3 =	vperm.xlane v3, v2  }
0x82: {  	[tilespmem:s14], [sflag:$0x1] =	stream.indirect_vreg.gather [hbm4b:s4+s3], $0x80, v4, vm0, $0xb8;
	[tilespmem:$0x10080] =	vst v63  }
0x83: {  	s2 =	simm.s32 $0x1080;
	v3 =	vadd.s32 v1, v3  }
0x84: {  	[tilespmem:s2], [sflag:$0x1] =	stream.indirect_vreg.gather [hbm4b:s5+s3], $0x80, v4, vm0, $0xb8;
	[tilespmem:$0x10080] =	vst v63  }
0x85: {  	s9 =	simm.s32 $0x1880  }
0x86: {  	[tilespmem:s9], [sflag:$0x1] =	stream.indirect_vreg.gather [hbm4b:s6+s3], $0x80, v4, vm0, $0xb8;
	[tilespmem:$0x10080] =	vst v63  }
0x87: {  	s10 =	simm.s32 $0x2080  }
0x88: {  	[tilespmem:s10], [sflag:$0x1] =	stream.indirect_vreg.gather [hbm4b:s1+s3], $0x80, v3, vm0, $0xb8;
	[tilespmem:$0x10080] =	vst v63  }
0x89: {  	s11 =	simm.s32 $0x2880  }
0x8a: {  	[tilespmem:s11], [sflag:$0x1] =	stream.indirect_vreg.gather [hbm4b:s4+s3], $0x80, v3, vm0, $0xb8;
	[tilespmem:$0x10080] =	vst v63  }
0x8b: {  	s12 =	simm.s32 $0x3080  }
0x8c: {  	[tilespmem:s12], [sflag:$0x1] =	stream.indirect_vreg.gather [hbm4b:s5+s3], $0x80, v3, vm0, $0xb8;
	[tilespmem:$0x10080] =	vst v63  }
0x8d: {  	s15 =	simm.s32 $0x3880  }
0x8e: {  	[tilespmem:s15], [sflag:$0x1] =	stream.indirect_vreg.gather [hbm4b:s6+s3], $0x80, v3, vm0, $0xb8;
	[tilespmem:$0x10080] =	vst v63  }
0x8f: {  	v3 =	vld [tilespmem:$0x10];
	_ =	sdelay $0x4  }
0x90: {  	v53 =	vshll.u32 v3, $0x3  }
0x91: {  	v3 =	vand.u32 $0x7, v3;
	v4 =	vand.u32 $0xFFFFFFC0, v53  }
0x92: {  	v3 =	vor.u32 v3, v4  }
0x93: {  	v4 =	vperm.xlane v3, v0;
	_ =	sdelay $0x1  }
0x94: {  	v4 =	vadd.s32 v1, v4;
	_ =	sdelay $0x3  }
0x95: {  	s16 =	simm.s32 $0x4080  }
0x96: {  	[tilespmem:s16], [sflag:$0x1] =	stream.indirect_vreg.gather [hbm4b:s1+s3], $0x80, v4, vm0, $0xb8;
	[tilespmem:$0x10080] =	vst v63  }
0x97: {  	s31 =	simm.s32 $0x4880;
	v3 =	vperm.xlane v3, v2  }
0x98: {  	[tilespmem:s31], [sflag:$0x1] =	stream.indirect_vreg.gather [hbm4b:s4+s3], $0x80, v4, vm0, $0xb8;
	[tilespmem:$0x10080] =	vst v63  }
0x99: {  	s13 =	simm.s32 $0x5080;
	v3 =	vadd.s32 v1, v3  }
0x9a: {  	[tilespmem:s13], [sflag:$0x1] =	stream.indirect_vreg.gather [hbm4b:s5+s3], $0x80, v4, vm0, $0xb8;
	[tilespmem:$0x10080] =	vst v63  }
0x9b: {  	s31 =	simm.s32 $0x5880  }
0x9c: {  	[tilespmem:s31], [sflag:$0x1] =	stream.indirect_vreg.gather [hbm4b:s6+s3], $0x80, v4, vm0, $0xb8;
	[tilespmem:$0x10080] =	vst v63  }
0x9d: {  	s0 =	simm.s32 $0x6080  }
0x9e: {  	[tilespmem:s0], [sflag:$0x1] =	stream.indirect_vreg.gather [hbm4b:s1+s3], $0x80, v3, vm0, $0xb8;
	[tilespmem:$0x10080] =	vst v63  }
0x9f: {  	s2 =	simm.s32 $0x6880  }
0xa0: {  	[tilespmem:s2], [sflag:$0x1] =	stream.indirect_vreg.gather [hbm4b:s4+s3], $0x80, v3, vm0, $0xb8;
	[tilespmem:$0x10080] =	vst v63  }
0xa1: {  	s9 =	simm.s32 $0x7080  }
0xa2: {  	[tilespmem:s9], [sflag:$0x1] =	stream.indirect_vreg.gather [hbm4b:s5+s3], $0x80, v3, vm0, $0xb8;
	[tilespmem:$0x10080] =	vst v63  }
0xa3: {  	s13 =	simm.s32 $0x7880  }
0xa4: {  	[tilespmem:s13], [sflag:$0x1] =	stream.indirect_vreg.gather [hbm4b:s6+s3], $0x80, v3, vm0, $0xb8;
	[tilespmem:$0x10080] =	vst v63  }
0xa5: {  	v3 =	vld [tilespmem:$0x20];
	_ =	sdelay $0x4  }
0xa6: {  	v54 =	vshll.u32 v3, $0x3  }
0xa7: {  	v3 =	vand.u32 $0x7, v3;
	v4 =	vand.u32 $0xFFFFFFC0, v54  }
0xa8: {  	v3 =	vor.u32 v3, v4  }
0xa9: {  	v4 =	vperm.xlane v3, v0;
	_ =	sdelay $0x1  }
0xaa: {  	v4 =	vadd.s32 v1, v4;
	_ =	sdelay $0x3  }
0xab: {  	s14 =	simm.s32 $0x8080  }
0xac: {  	[tilespmem:s14], [sflag:$0x1] =	stream.indirect_vreg.gather [hbm4b:s1+s3], $0x80, v4, vm0, $0xb8;
	[tilespmem:$0x10080] =	vst v63  }
0xad: {  	s15 =	simm.s32 $0x8880;
	v3 =	vperm.xlane v3, v2  }
0xae: {  	[tilespmem:s15], [sflag:$0x1] =	stream.indirect_vreg.gather [hbm4b:s4+s3], $0x80, v4, vm0, $0xb8;
	[tilespmem:$0x10080] =	vst v63  }
0xaf: {  	s10 =	simm.s32 $0x9080;
	v3 =	vadd.s32 v1, v3  }
0xb0: {  	[tilespmem:s10], [sflag:$0x1] =	stream.indirect_vreg.gather [hbm4b:s5+s3], $0x80, v4, vm0, $0xb8;
	[tilespmem:$0x10080] =	vst v63  }
0xb1: {  	s11 =	simm.s32 $0x9880  }
0xb2: {  	[tilespmem:s11], [sflag:$0x1] =	stream.indirect_vreg.gather [hbm4b:s6+s3], $0x80, v4, vm0, $0xb8;
	[tilespmem:$0x10080] =	vst v63  }
0xb3: {  	s12 =	simm.s32 $0xA080  }
0xb4: {  	[tilespmem:s12], [sflag:$0x1] =	stream.indirect_vreg.gather [hbm4b:s1+s3], $0x80, v3, vm0, $0xb8;
	[tilespmem:$0x10080] =	vst v63  }
0xb5: {  	s30 =	simm.s32 $0xA880  }
0xb6: {  	[tilespmem:s30], [sflag:$0x1] =	stream.indirect_vreg.gather [hbm4b:s4+s3], $0x80, v3, vm0, $0xb8;
	[tilespmem:$0x10080] =	vst v63  }
0xb7: {  	s28 =	simm.s32 $0xB080  }
0xb8: {  	[tilespmem:s28], [sflag:$0x1] =	stream.indirect_vreg.gather [hbm4b:s5+s3], $0x80, v3, vm0, $0xb8;
	[tilespmem:$0x10080] =	vst v63  }
0xb9: {  	s20 =	simm.s32 $0xB880  }
0xba: {  	[tilespmem:s20], [sflag:$0x1] =	stream.indirect_vreg.gather [hbm4b:s6+s3], $0x80, v3, vm0, $0xb8;
	[tilespmem:$0x10080] =	vst v63  }
0xbb: {  	v3 =	vld [tilespmem:$0x30];
	_ =	sdelay $0x4  }
0xbc: {  	v55 =	vshll.u32 v3, $0x3  }
0xbd: {  	v3 =	vand.u32 $0x7, v3;
	v4 =	vand.u32 $0xFFFFFFC0, v55  }
0xbe: {  	v3 =	vor.u32 v3, v4  }
0xbf: {  	v4 =	vperm.xlane v3, v0;
	_ =	sdelay $0x1  }
0xc0: {  	v4 =	vadd.s32 v1, v4;
	_ =	sdelay $0x3  }
0xc1: {  	s21 =	simm.s32 $0xC080  }
0xc2: {  	[tilespmem:s21], [sflag:$0x1] =	stream.indirect_vreg.gather [hbm4b:s1+s3], $0x80, v4, vm0, $0xb8;
	[tilespmem:$0x10080] =	vst v63  }
0xc3: {  	s22 =	simm.s32 $0xC880;
	v3 =	vperm.xlane v3, v2  }
0xc4: {  	[tilespmem:s22], [sflag:$0x1] =	stream.indirect_vreg.gather [hbm4b:s4+s3], $0x80, v4, vm0, $0xb8;
	[tilespmem:$0x10080] =	vst v63  }
0xc5: {  	v3 =	vadd.s32 v1, v3;
	s22 =	simm.s32 $0xD080  }
0xc6: {  	[tilespmem:s22], [sflag:$0x1] =	stream.indirect_vreg.gather [hbm4b:s5+s3], $0x80, v4, vm0, $0xb8;
	[tilespmem:$0x10080] =	vst v63  }
0xc7: {  	s26 =	simm.s32 $0xD880  }
0xc8: {  	[tilespmem:s26], [sflag:$0x1] =	stream.indirect_vreg.gather [hbm4b:s6+s3], $0x80, v4, vm0, $0xb8;
	[tilespmem:$0x10080] =	vst v63  }
0xc9: {  	s29 =	simm.s32 $0xE080  }
0xca: {  	[tilespmem:s29], [sflag:$0x1] =	stream.indirect_vreg.gather [hbm4b:s1+s3], $0x80, v3, vm0, $0xb8;
	[tilespmem:$0x10080] =	vst v63  }
0xcb: {  	s26 =	simm.s32 $0xE880  }
0xcc: {  	[tilespmem:s26], [sflag:$0x1] =	stream.indirect_vreg.gather [hbm4b:s4+s3], $0x80, v3, vm0, $0xb8;
	[tilespmem:$0x10080] =	vst v63  }
0xcd: {  	s30 =	simm.s32 $0xF080  }
0xce: {  	[tilespmem:s30], [sflag:$0x1] =	stream.indirect_vreg.gather [hbm4b:s5+s3], $0x80, v3, vm0, $0xb8;
	[tilespmem:$0x10080] =	vst v63  }
0xcf: {  	s17 =	simm.s32 $0xF880  }
0xd0: {  	[tilespmem:s17], [sflag:$0x1] =	stream.indirect_vreg.gather [hbm4b:s6+s3], $0x80, v3, vm0, $0xb8;
	[tilespmem:$0x10080] =	vst v63  }
0xd1: {  	_ =	swait.ge [sflag:s18], $0x10000  }
0xd2: {  	[sflag:s18] =	ssyncset.done $0x0  }
0xd3: {  	s21 =	rddreg [dreg:$0x6];
	[sflag:s18] =	ssyncadd.s32 $0xFFFF0000  }
0xd4: {  	[hbm4b:s21+s3] =	stream.linear.scatter [tilespmem:s23], [sflag:$0x2], $0x10000, $0x38;
	[tilespmem:$0x10080] =	vst v63  }
0xd5: {  	_ =	swait.ge [sflag:s8], $0x10000  }
0xd6: {  	[sflag:s8] =	ssyncset.done $0x0  }
0xd7: {  	s17 =	rddreg [dreg:$0x7];
	[sflag:s8] =	ssyncadd.s32 $0xFFFF0000  }
0xd8: {  	[tilespmem:s3], [sflag:$0x2] =	stream.linear.gather [hbm4b:s17+s3], $0x40, $0x38;
	[tilespmem:$0x10080] =	vst v63  }
0xd9: {  	_ =	swait.ge [sflag:s8], $0x40  }
0xda: {  	[sflag:s8] =	ssyncset.done $0x0  }
0xdb: {  	[sflag:s8] =	ssyncadd.s32 $0xFFFFFFC0  }
0xdc: {  	v3 =	vld [tilespmem:$0x0];
	_ =	sdelay $0x4  }
0xdd: {  	v56 =	vshll.u32 v3, $0x3  }
0xde: {  	v3 =	vand.u32 $0x7, v3;
	v4 =	vand.u32 $0xFFFFFFC0, v56  }
0xdf: {  	v3 =	vor.u32 v3, v4  }
0xe0: {  	v4 =	vperm.xlane v3, v0;
	_ =	sdelay $0x1  }
0xe1: {  	v4 =	vadd.s32 v1, v4;
	_ =	sdelay $0x4  }
0xe2: {  	[tilespmem:s23], [sflag:$0x1] =	stream.indirect_vreg.gather [hbm4b:s1+s3], $0x80, v4, vm0, $0xb8;
	[tilespmem:$0x10080] =	vst v63  }
0xe3: {  	s21 =	simm.s32 $0x880;
	v3 =	vperm.xlane v3, v2  }
0xe4: {  	[tilespmem:s21], [sflag:$0x1] =	stream.indirect_vreg.gather [hbm4b:s4+s3], $0x80, v4, vm0, $0xb8;
	[tilespmem:$0x10080] =	vst v63  }
0xe5: {  	s25 =	simm.s32 $0x1080;
	v3 =	vadd.s32 v1, v3  }
0xe6: {  	[tilespmem:s25], [sflag:$0x1] =	stream.indirect_vreg.gather [hbm4b:s5+s3], $0x80, v4, vm0, $0xb8;
	[tilespmem:$0x10080] =	vst v63  }
0xe7: {  	s25 =	simm.s32 $0x1880  }
0xe8: {  	[tilespmem:s25], [sflag:$0x1] =	stream.indirect_vreg.gather [hbm4b:s6+s3], $0x80, v4, vm0, $0xb8;
	[tilespmem:$0x10080] =	vst v63  }
0xe9: {  	s19 =	simm.s32 $0x2080  }
0xea: {  	[tilespmem:s19], [sflag:$0x1] =	stream.indirect_vreg.gather [hbm4b:s1+s3], $0x80, v3, vm0, $0xb8;
	[tilespmem:$0x10080] =	vst v63  }
0xeb: {  	s25 =	simm.s32 $0x2880  }
0xec: {  	[tilespmem:s25], [sflag:$0x1] =	stream.indirect_vreg.gather [hbm4b:s4+s3], $0x80, v3, vm0, $0xb8;
	[tilespmem:$0x10080] =	vst v63  }
0xed: {  	s19 =	simm.s32 $0x3080  }
0xee: {  	[tilespmem:s19], [sflag:$0x1] =	stream.indirect_vreg.gather [hbm4b:s5+s3], $0x80, v3, vm0, $0xb8;
	[tilespmem:$0x10080] =	vst v63  }
0xef: {  	s25 =	simm.s32 $0x3880  }
0xf0: {  	[tilespmem:s25], [sflag:$0x1] =	stream.indirect_vreg.gather [hbm4b:s6+s3], $0x80, v3, vm0, $0xb8;
	[tilespmem:$0x10080] =	vst v63  }
0xf1: {  	v3 =	vld [tilespmem:$0x10];
	_ =	sdelay $0x4  }
0xf2: {  	v57 =	vshll.u32 v3, $0x3  }
0xf3: {  	v3 =	vand.u32 $0x7, v3;
	v4 =	vand.u32 $0xFFFFFFC0, v57  }
0xf4: {  	v3 =	vor.u32 v3, v4  }
0xf5: {  	v4 =	vperm.xlane v3, v0;
	_ =	sdelay $0x1  }
0xf6: {  	v4 =	vadd.s32 v1, v4;
	_ =	sdelay $0x4  }
0xf7: {  	[tilespmem:s16], [sflag:$0x1] =	stream.indirect_vreg.gather [hbm4b:s1+s3], $0x80, v4, vm0, $0xb8;
	[tilespmem:$0x10080] =	vst v63  }
0xf8: {  	s19 =	simm.s32 $0x4880;
	v3 =	vperm.xlane v3, v2  }
0xf9: {  	[tilespmem:s19], [sflag:$0x1] =	stream.indirect_vreg.gather [hbm4b:s4+s3], $0x80, v4, vm0, $0xb8;
	[tilespmem:$0x10080] =	vst v63  }
0xfa: {  	s25 =	simm.s32 $0x5080;
	v3 =	vadd.s32 v1, v3  }
0xfb: {  	[tilespmem:s25], [sflag:$0x1] =	stream.indirect_vreg.gather [hbm4b:s5+s3], $0x80, v4, vm0, $0xb8;
	[tilespmem:$0x10080] =	vst v63  }
0xfc: {  	_ = 	snop  }
0xfd: {  	[tilespmem:s31], [sflag:$0x1] =	stream.indirect_vreg.gather [hbm4b:s6+s3], $0x80, v4, vm0, $0xb8;
	[tilespmem:$0x10080] =	vst v63  }
0xfe: {  	_ = 	snop  }
0xff: {  	[tilespmem:s0], [sflag:$0x1] =	stream.indirect_vreg.gather [hbm4b:s1+s3], $0x80, v3, vm0, $0xb8;
	[tilespmem:$0x10080] =	vst v63  }
0x100: {  	_ = 	snop  }
0x101: {  	[tilespmem:s2], [sflag:$0x1] =	stream.indirect_vreg.gather [hbm4b:s4+s3], $0x80, v3, vm0, $0xb8;
	[tilespmem:$0x10080] =	vst v63  }
0x102: {  	_ = 	snop  }
0x103: {  	[tilespmem:s9], [sflag:$0x1] =	stream.indirect_vreg.gather [hbm4b:s5+s3], $0x80, v3, vm0, $0xb8;
	[tilespmem:$0x10080] =	vst v63  }
0x104: {  	_ = 	snop  }
0x105: {  	[tilespmem:s13], [sflag:$0x1] =	stream.indirect_vreg.gather [hbm4b:s6+s3], $0x80, v3, vm0, $0xb8;
	[tilespmem:$0x10080] =	vst v63  }
0x106: {  	v3 =	vld [tilespmem:$0x20];
	_ =	sdelay $0x4  }
0x107: {  	v58 =	vshll.u32 v3, $0x3  }
0x108: {  	v3 =	vand.u32 $0x7, v3;
	v4 =	vand.u32 $0xFFFFFFC0, v58  }
0x109: {  	v3 =	vor.u32 v3, v4  }
0x10a: {  	v4 =	vperm.xlane v3, v0;
	_ =	sdelay $0x1  }
0x10b: {  	v4 =	vadd.s32 v1, v4;
	_ =	sdelay $0x4  }
0x10c: {  	[tilespmem:s14], [sflag:$0x1] =	stream.indirect_vreg.gather [hbm4b:s1+s3], $0x80, v4, vm0, $0xb8;
	[tilespmem:$0x10080] =	vst v63  }
0x10d: {  	v3 =	vperm.xlane v3, v2  }
0x10e: {  	[tilespmem:s15], [sflag:$0x1] =	stream.indirect_vreg.gather [hbm4b:s4+s3], $0x80, v4, vm0, $0xb8;
	[tilespmem:$0x10080] =	vst v63  }
0x10f: {  	v3 =	vadd.s32 v1, v3  }
0x110: {  	[tilespmem:s10], [sflag:$0x1] =	stream.indirect_vreg.gather [hbm4b:s5+s3], $0x80, v4, vm0, $0xb8;
	[tilespmem:$0x10080] =	vst v63  }
0x111: {  	_ = 	snop  }
0x112: {  	[tilespmem:s11], [sflag:$0x1] =	stream.indirect_vreg.gather [hbm4b:s6+s3], $0x80, v4, vm0, $0xb8;
	[tilespmem:$0x10080] =	vst v63  }
0x113: {  	_ = 	snop  }
0x114: {  	[tilespmem:s12], [sflag:$0x1] =	stream.indirect_vreg.gather [hbm4b:s1+s3], $0x80, v3, vm0, $0xb8;
	[tilespmem:$0x10080] =	vst v63  }
0x115: {  	s24 =	simm.s32 $0xA880  }
0x116: {  	[tilespmem:s24], [sflag:$0x1] =	stream.indirect_vreg.gather [hbm4b:s4+s3], $0x80, v3, vm0, $0xb8;
	[tilespmem:$0x10080] =	vst v63  }
0x117: {  	s28 =	simm.s32 $0xB080  }
0x118: {  	[tilespmem:s28], [sflag:$0x1] =	stream.indirect_vreg.gather [hbm4b:s5+s3], $0x80, v3, vm0, $0xb8;
	[tilespmem:$0x10080] =	vst v63  }
0x119: {  	s28 =	simm.s32 $0xB880  }
0x11a: {  	[tilespmem:s28], [sflag:$0x1] =	stream.indirect_vreg.gather [hbm4b:s6+s3], $0x80, v3, vm0, $0xb8;
	[tilespmem:$0x10080] =	vst v63  }
0x11b: {  	v3 =	vld [tilespmem:$0x30];
	_ =	sdelay $0x4  }
0x11c: {  	v59 =	vshll.u32 v3, $0x3  }
0x11d: {  	v3 =	vand.u32 $0x7, v3;
	v4 =	vand.u32 $0xFFFFFFC0, v59  }
0x11e: {  	v3 =	vor.u32 v3, v4  }
0x11f: {  	v4 =	vperm.xlane v3, v0;
	_ =	sdelay $0x1  }
0x120: {  	v4 =	vadd.s32 v1, v4;
	_ =	sdelay $0x3  }
0x121: {  	s24 =	simm.s32 $0xC080  }
0x122: {  	[tilespmem:s24], [sflag:$0x1] =	stream.indirect_vreg.gather [hbm4b:s1+s3], $0x80, v4, vm0, $0xb8;
	[tilespmem:$0x10080] =	vst v63  }
0x123: {  	s25 =	simm.s32 $0xC880;
	v3 =	vperm.xlane v3, v2  }
0x124: {  	[tilespmem:s25], [sflag:$0x1] =	stream.indirect_vreg.gather [hbm4b:s4+s3], $0x80, v4, vm0, $0xb8;
	[tilespmem:$0x10080] =	vst v63  }
0x125: {  	s20 =	simm.s32 $0xD080;
	v3 =	vadd.s32 v1, v3  }
0x126: {  	[tilespmem:s20], [sflag:$0x1] =	stream.indirect_vreg.gather [hbm4b:s5+s3], $0x80, v4, vm0, $0xb8;
	[tilespmem:$0x10080] =	vst v63  }
0x127: {  	s22 =	simm.s32 $0xD880  }
0x128: {  	[tilespmem:s22], [sflag:$0x1] =	stream.indirect_vreg.gather [hbm4b:s6+s3], $0x80, v4, vm0, $0xb8;
	[tilespmem:$0x10080] =	vst v63  }
0x129: {  	s29 =	simm.s32 $0xE080  }
0x12a: {  	[tilespmem:s29], [sflag:$0x1] =	stream.indirect_vreg.gather [hbm4b:s1+s3], $0x80, v3, vm0, $0xb8;
	[tilespmem:$0x10080] =	vst v63  }
0x12b: {  	s26 =	simm.s32 $0xE880  }
0x12c: {  	[tilespmem:s26], [sflag:$0x1] =	stream.indirect_vreg.gather [hbm4b:s4+s3], $0x80, v3, vm0, $0xb8;
	[tilespmem:$0x10080] =	vst v63  }
0x12d: {  	s30 =	simm.s32 $0xF080  }
0x12e: {  	[tilespmem:s30], [sflag:$0x1] =	stream.indirect_vreg.gather [hbm4b:s5+s3], $0x80, v3, vm0, $0xb8;
	[tilespmem:$0x10080] =	vst v63  }
0x12f: {  	s26 =	simm.s32 $0xF880  }
0x130: {  	[tilespmem:s26], [sflag:$0x1] =	stream.indirect_vreg.gather [hbm4b:s6+s3], $0x80, v3, vm0, $0xb8;
	[tilespmem:$0x10080] =	vst v63  }
0x131: {  	_ =	swait.ge [sflag:s18], $0x10000  }
0x132: {  	[sflag:s18] =	ssyncset.done $0x0  }
0x133: {  	s29 =	rddreg [dreg:$0x8];
	[sflag:s18] =	ssyncadd.s32 $0xFFFF0000  }
0x134: {  	[hbm4b:s29+s3] =	stream.linear.scatter [tilespmem:s23], [sflag:$0x2], $0x10000, $0x38;
	[tilespmem:$0x10080] =	vst v63  }
0x135: {  	_ =	swait.ge [sflag:s8], $0x10000  }
0x136: {  	[sflag:s8] =	ssyncset.done $0x0  }
0x137: {  	s30 =	rddreg [dreg:$0x9];
	[sflag:s8] =	ssyncadd.s32 $0xFFFF0000  }
0x138: {  	[tilespmem:s3], [sflag:$0x2] =	stream.linear.gather [hbm4b:s30+s3], $0x40, $0x38;
	[tilespmem:$0x10080] =	vst v63  }
0x139: {  	_ =	swait.ge [sflag:s8], $0x40  }
0x13a: {  	[sflag:s8] =	ssyncset.done $0x0  }
0x13b: {  	[sflag:s8] =	ssyncadd.s32 $0xFFFFFFC0  }
0x13c: {  	v3 =	vld [tilespmem:$0x0];
	_ =	sdelay $0x4  }
0x13d: {  	v60 =	vshll.u32 v3, $0x3  }
0x13e: {  	v3 =	vand.u32 $0x7, v3;
	v4 =	vand.u32 $0xFFFFFFC0, v60  }
0x13f: {  	v3 =	vor.u32 v3, v4  }
0x140: {  	v4 =	vperm.xlane v3, v0;
	_ =	sdelay $0x1  }
0x141: {  	v4 =	vadd.s32 v1, v4;
	_ =	sdelay $0x4  }
0x142: {  	[tilespmem:s23], [sflag:$0x1] =	stream.indirect_vreg.gather [hbm4b:s1+s3], $0x80, v4, vm0, $0xb8;
	[tilespmem:$0x10080] =	vst v63  }
0x143: {  	s29 =	simm.s32 $0x880;
	v3 =	vperm.xlane v3, v2  }
0x144: {  	[tilespmem:s29], [sflag:$0x1] =	stream.indirect_vreg.gather [hbm4b:s4+s3], $0x80, v4, vm0, $0xb8;
	[tilespmem:$0x10080] =	vst v63  }
0x145: {  	s21 =	simm.s32 $0x1080;
	v3 =	vadd.s32 v1, v3  }
0x146: {  	[tilespmem:s21], [sflag:$0x1] =	stream.indirect_vreg.gather [hbm4b:s5+s3], $0x80, v4, vm0, $0xb8;
	[tilespmem:$0x10080] =	vst v63  }
0x147: {  	s30 =	simm.s32 $0x1880  }
0x148: {  	[tilespmem:s30], [sflag:$0x1] =	stream.indirect_vreg.gather [hbm4b:s6+s3], $0x80, v4, vm0, $0xb8;
	[tilespmem:$0x10080] =	vst v63  }
0x149: {  	s21 =	simm.s32 $0x2080  }
0x14a: {  	[tilespmem:s21], [sflag:$0x1] =	stream.indirect_vreg.gather [hbm4b:s1+s3], $0x80, v3, vm0, $0xb8;
	[tilespmem:$0x10080] =	vst v63  }
0x14b: {  	s29 =	simm.s32 $0x2880  }
0x14c: {  	[tilespmem:s29], [sflag:$0x1] =	stream.indirect_vreg.gather [hbm4b:s4+s3], $0x80, v3, vm0, $0xb8;
	[tilespmem:$0x10080] =	vst v63  }
0x14d: {  	s30 =	simm.s32 $0x3080  }
0x14e: {  	[tilespmem:s30], [sflag:$0x1] =	stream.indirect_vreg.gather [hbm4b:s5+s3], $0x80, v3, vm0, $0xb8;
	[tilespmem:$0x10080] =	vst v63  }
0x14f: {  	s21 =	simm.s32 $0x3880  }
0x150: {  	[tilespmem:s21], [sflag:$0x1] =	stream.indirect_vreg.gather [hbm4b:s6+s3], $0x80, v3, vm0, $0xb8;
	[tilespmem:$0x10080] =	vst v63  }
0x151: {  	v3 =	vld [tilespmem:$0x10];
	_ =	sdelay $0x4  }
0x152: {  	v61 =	vshll.u32 v3, $0x3  }
0x153: {  	v3 =	vand.u32 $0x7, v3;
	v4 =	vand.u32 $0xFFFFFFC0, v61  }
0x154: {  	v3 =	vor.u32 v3, v4  }
0x155: {  	v4 =	vperm.xlane v3, v0;
	_ =	sdelay $0x1  }
0x156: {  	v4 =	vadd.s32 v1, v4;
	_ =	sdelay $0x3  }
0x157: {  	s16 =	simm.s32 $0x4080  }
0x158: {  	[tilespmem:s16], [sflag:$0x1] =	stream.indirect_vreg.gather [hbm4b:s1+s3], $0x80, v4, vm0, $0xb8;
	[tilespmem:$0x10080] =	vst v63  }
0x159: {  	s29 =	simm.s32 $0x4880;
	v3 =	vperm.xlane v3, v2  }
0x15a: {  	[tilespmem:s29], [sflag:$0x1] =	stream.indirect_vreg.gather [hbm4b:s4+s3], $0x80, v4, vm0, $0xb8;
	[tilespmem:$0x10080] =	vst v63  }
0x15b: {  	s30 =	simm.s32 $0x5080;
	v3 =	vadd.s32 v1, v3  }
0x15c: {  	[tilespmem:s30], [sflag:$0x1] =	stream.indirect_vreg.gather [hbm4b:s5+s3], $0x80, v4, vm0, $0xb8;
	[tilespmem:$0x10080] =	vst v63  }
0x15d: {  	s17 =	simm.s32 $0x5880  }
0x15e: {  	[tilespmem:s17], [sflag:$0x1] =	stream.indirect_vreg.gather [hbm4b:s6+s3], $0x80, v4, vm0, $0xb8;
	[tilespmem:$0x10080] =	vst v63  }
0x15f: {  	s0 =	simm.s32 $0x6080  }
0x160: {  	[tilespmem:s0], [sflag:$0x1] =	stream.indirect_vreg.gather [hbm4b:s1+s3], $0x80, v3, vm0, $0xb8;
	[tilespmem:$0x10080] =	vst v63  }
0x161: {  	s2 =	simm.s32 $0x6880  }
0x162: {  	[tilespmem:s2], [sflag:$0x1] =	stream.indirect_vreg.gather [hbm4b:s4+s3], $0x80, v3, vm0, $0xb8;
	[tilespmem:$0x10080] =	vst v63  }
0x163: {  	s9 =	simm.s32 $0x7080  }
0x164: {  	[tilespmem:s9], [sflag:$0x1] =	stream.indirect_vreg.gather [hbm4b:s5+s3], $0x80, v3, vm0, $0xb8;
	[tilespmem:$0x10080] =	vst v63  }
0x165: {  	s13 =	simm.s32 $0x7880  }
0x166: {  	[tilespmem:s13], [sflag:$0x1] =	stream.indirect_vreg.gather [hbm4b:s6+s3], $0x80, v3, vm0, $0xb8;
	[tilespmem:$0x10080] =	vst v63  }
0x167: {  	v3 =	vld [tilespmem:$0x20];
	_ =	sdelay $0x4  }
0x168: {  	v62 =	vshll.u32 v3, $0x3  }
0x169: {  	v3 =	vand.u32 $0x7, v3;
	v4 =	vand.u32 $0xFFFFFFC0, v62  }
0x16a: {  	v3 =	vor.u32 v3, v4  }
0x16b: {  	v4 =	vperm.xlane v3, v0;
	_ =	sdelay $0x1  }
0x16c: {  	v4 =	vadd.s32 v1, v4;
	_ =	sdelay $0x3  }
0x16d: {  	s14 =	simm.s32 $0x8080  }
0x16e: {  	[tilespmem:s14], [sflag:$0x1] =	stream.indirect_vreg.gather [hbm4b:s1+s3], $0x80, v4, vm0, $0xb8;
	[tilespmem:$0x10080] =	vst v63  }
0x16f: {  	s15 =	simm.s32 $0x8880;
	v3 =	vperm.xlane v3, v2  }
0x170: {  	[tilespmem:s15], [sflag:$0x1] =	stream.indirect_vreg.gather [hbm4b:s4+s3], $0x80, v4, vm0, $0xb8;
	[tilespmem:$0x10080] =	vst v63  }
0x171: {  	s10 =	simm.s32 $0x9080;
	v3 =	vadd.s32 v1, v3  }
0x172: {  	[tilespmem:s10], [sflag:$0x1] =	stream.indirect_vreg.gather [hbm4b:s5+s3], $0x80, v4, vm0, $0xb8;
	[tilespmem:$0x10080] =	vst v63  }
0x173: {  	s11 =	simm.s32 $0x9880  }
0x174: {  	[tilespmem:s11], [sflag:$0x1] =	stream.indirect_vreg.gather [hbm4b:s6+s3], $0x80, v4, vm0, $0xb8;
	[tilespmem:$0x10080] =	vst v63  }
0x175: {  	s12 =	simm.s32 $0xA080  }
0x176: {  	[tilespmem:s12], [sflag:$0x1] =	stream.indirect_vreg.gather [hbm4b:s1+s3], $0x80, v3, vm0, $0xb8;
	[tilespmem:$0x10080] =	vst v63  }
0x177: {  	s31 =	simm.s32 $0xA880  }
0x178: {  	[tilespmem:s31], [sflag:$0x1] =	stream.indirect_vreg.gather [hbm4b:s4+s3], $0x80, v3, vm0, $0xb8;
	[tilespmem:$0x10080] =	vst v63  }
0x179: {  	s19 =	simm.s32 $0xB080  }
0x17a: {  	[tilespmem:s19], [sflag:$0x1] =	stream.indirect_vreg.gather [hbm4b:s5+s3], $0x80, v3, vm0, $0xb8;
	[tilespmem:$0x10080] =	vst v63  }
0x17b: {  	s21 =	simm.s32 $0xB880  }
0x17c: {  	[tilespmem:s21], [sflag:$0x1] =	stream.indirect_vreg.gather [hbm4b:s6+s3], $0x80, v3, vm0, $0xb8;
	[tilespmem:$0x10080] =	vst v63  }
0x17d: {  	v3 =	vld [tilespmem:$0x30];
	_ =	sdelay $0x4  }
0x17e: {  	v63 =	vshll.u32 v3, $0x3  }
0x17f: {  	v3 =	vand.u32 $0x7, v3;
	v4 =	vand.u32 $0xFFFFFFC0, v63  }
0x180: {  	v3 =	vor.u32 v3, v4  }
0x181: {  	v4 =	vperm.xlane v3, v0;
	_ =	sdelay $0x1  }
0x182: {  	v4 =	vadd.s32 v1, v4;
	_ =	sdelay $0x3  }
0x183: {  	s29 =	simm.s32 $0xC080  }
0x184: {  	[tilespmem:s29], [sflag:$0x1] =	stream.indirect_vreg.gather [hbm4b:s1+s3], $0x80, v4, vm0, $0xb8;
	[tilespmem:$0x10080] =	vst v63  }
0x185: {  	s30 =	simm.s32 $0xC880;
	v3 =	vperm.xlane v3, v2  }
0x186: {  	[tilespmem:s30], [sflag:$0x1] =	stream.indirect_vreg.gather [hbm4b:s4+s3], $0x80, v4, vm0, $0xb8;
	[tilespmem:$0x10080] =	vst v63  }
0x187: {  	s28 =	simm.s32 $0xD080;
	v3 =	vadd.s32 v1, v3  }
0x188: {  	[tilespmem:s28], [sflag:$0x1] =	stream.indirect_vreg.gather [hbm4b:s5+s3], $0x80, v4, vm0, $0xb8;
	[tilespmem:$0x10080] =	vst v63  }
0x189: {  	s20 =	simm.s32 $0xD880  }
0x18a: {  	[tilespmem:s20], [sflag:$0x1] =	stream.indirect_vreg.gather [hbm4b:s6+s3], $0x80, v4, vm0, $0xb8;
	[tilespmem:$0x10080] =	vst v63  }
0x18b: {  	s24 =	simm.s32 $0xE080  }
0x18c: {  	[tilespmem:s24], [sflag:$0x1] =	stream.indirect_vreg.gather [hbm4b:s1+s3], $0x80, v3, vm0, $0xb8;
	[tilespmem:$0x10080] =	vst v63  }
0x18d: {  	s22 =	simm.s32 $0xE880  }
0x18e: {  	[tilespmem:s22], [sflag:$0x1] =	stream.indirect_vreg.gather [hbm4b:s4+s3], $0x80, v3, vm0, $0xb8;
	[tilespmem:$0x10080] =	vst v63  }
0x18f: {  	s25 =	simm.s32 $0xF080  }
0x190: {  	[tilespmem:s25], [sflag:$0x1] =	stream.indirect_vreg.gather [hbm4b:s5+s3], $0x80, v3, vm0, $0xb8;
	[tilespmem:$0x10080] =	vst v63  }
0x191: {  	s26 =	simm.s32 $0xF880  }
0x192: {  	[tilespmem:s26], [sflag:$0x1] =	stream.indirect_vreg.gather [hbm4b:s6+s3], $0x80, v3, vm0, $0xb8;
	[tilespmem:$0x10080] =	vst v63  }
0x193: {  	_ =	swait.ge [sflag:s18], $0x10000  }
0x194: {  	p0 =	sne.s32 s7, $0x1;
	[sflag:s18] =	ssyncset.done $0x0  }
.Ltmp0:
0x195: {  	s31 =	rddreg [dreg:$0xa];
	[sflag:s18] =	ssyncadd.s32 $0xFFFF0000;
	(pc) =	sbr.rel @p0 .LBB2_1-.Ltmp0, $4  }
0x196: {  	[hbm4b:s31+s3] =	stream.linear.scatter [tilespmem:s23], [sflag:$0x2], $0x10000, $0x38;
	[tilespmem:$0x10080] =	vst v63  }
0x197: {  	_ =	swait.ge [sflag:s8], $0x10000  }
0x198: {  	[sflag:s8] =	ssyncset.done $0x0  }
0x199: {  	s7 =	sadd.s32 $0xFFFFFFFF, s7;
	[sflag:s8] =	ssyncadd.s32 $0xFFFF0000  }
0x19a: {  	_ =	sfence.sel $0x180000  }
0x19b: {  	[bflag:$0x0] =	sbarrier.arrive $0xFFFF  }
0x19c: {  	_ =	strace $0x90000047  }
0x19d: {  	s0 =	stileid.u32;
	[bflag:$0x2] =	sbarrier.arrive $0xFFFF  }
0x19e: {  	p0 =	sne.s32 s0, $0x0;
	s0 =	rddreg [dreg:$0x2]  }
0x19f: {  	s0 =	sadd.s32 @!p0 $0x100000, s0  }
0x1a0: {  	[sflag:s0] =	ssyncadd.tile.s32 @!p0 $0x1;
	_ =	shalt  }
.Lfunc_end2:
_tile_overlayer_lowered:
.L_overlay_start_2:
0x1a1: {  	(tag) =	ssettag $0x2  }
0x1a2: {  	s0 =	rddreg [dreg:$0x0];
	s2 =	stileid.u32  }
0x1a3: {  	s1 =	rddreg [dreg:$0x1];
	p0 =	sne.s32 s2, $0x0  }
0x1a4: {  	s3 =	rddreg [dreg:$0x2];
	[bflag:$0x3] =	sbarrier.arrive $0xFFFF;
	s2 =	simm.s32 @!p0 $0x1C02  }
0x1a5: {  	[timem:s3], [sflag:s2] =	dma.local @!p0 [hbm:s0], s1  }
0x1a6: {  	s0 =	simm.s32 @!p0 $0x2  }
0x1a7: {  	_ =	swait.ge @!p0 [sflag:s0], s1  }
0x1a8: {  	s1 =	ssub.s32 @!p0 $0x0, s1;
	[sflag:s0] =	ssyncset.done @!p0 $0x0  }
0x1a9: {  	[sflag:s0] =	ssyncadd.s32 @!p0 s1  }
0x1aa: {  	[bflag:$0x3] =	sbarrier.arrive $0xFFFF  }
0x1ab: {  	_ =	shalt  }

</sc_bundles>
